<compile_context>
chip_gen: v7x
topology: tpu7x:2x2x1
jax: 0.10.2.dev20260603
libtpu: 0.0.44.dev20260713+nightly
codegen_flags: <defaults>
</compile_context>

<pallas_src>
import functools

import jax
import jax.numpy as jnp
from jax import lax
from jax.experimental import pallas as pl
from jax.experimental.pallas import tpu as pltpu
from jax.experimental.pallas import tpu_sc as plsc

N = 10000
M = 32
ORIG = 92
NBR = 16
AF = 64
HF = 128
NCONV = 3
NCRY = 100
PER = 100
E = N * M
MH = M // 2

NW = 32
GB = 64
KCH = 80
E_PAD = NW * KCH * 2 * GB
EH = E // 2
EH_PAD = E_PAD // 2

AT = 200
ET = AT * M
ETH = ET // 2
GRID_E = N // AT

_EPS = 1e-5
_FE = float(E)
_FN = float(N)


def _softplus(x):
    return jnp.maximum(x, 0.0) + jnp.log1p(jnp.exp(-jnp.abs(x)))


def _make_sc_gather():
    mesh = plsc.VectorSubcoreMesh(
        core_axis_name="c", subcore_axis_name="s", num_cores=2, num_subcores=16
    )

    @functools.partial(
        pl.kernel,
        out_type=jax.ShapeDtypeStruct((EH_PAD, 2 * AF), jnp.float32),
        mesh=mesh,
        scratch_types=[
            pltpu.VMEM((2 * KCH, GB), jnp.int32),
            pltpu.VMEM((GB, AF), jnp.float32),
            pltpu.VMEM((GB, AF), jnp.float32),
            pltpu.SemaphoreType.DMA,
            pltpu.SemaphoreType.DMA,
        ],
        compiler_params=pltpu.CompilerParams(use_tc_tiling_on_sc=False),
    )
    def gather_k(tbl_hbm, idx_hbm, out_hbm, idx_v, rv_e, rv_o, sem_e, sem_o):
        wid = lax.axis_index("s") * 2 + lax.axis_index("c")
        base = wid * (KCH * GB)
        pltpu.sync_copy(idx_hbm.at[wid], idx_v)

        def body(j, carry):
            ce = pltpu.async_copy(tbl_hbm.at[idx_v.at[2 * j]], rv_e, sem_e)
            co = pltpu.async_copy(tbl_hbm.at[idx_v.at[2 * j + 1]], rv_o, sem_o)
            ce.wait()
            co.wait()
            r0 = base + j * GB
            pltpu.sync_copy(rv_e, out_hbm.at[pl.ds(r0, GB), pl.ds(0, AF)])
            pltpu.sync_copy(rv_o, out_hbm.at[pl.ds(r0, GB), pl.ds(AF, AF)])
            return carry

        lax.fori_loop(0, KCH, body, 0)

    return gather_k


_SC_GATHER_CACHE = []


def _sc_gather(tbl, idx3):
    if not _SC_GATHER_CACHE:
        _SC_GATHER_CACHE.append(_make_sc_gather())
    return _SC_GATHER_CACHE[0](tbl, idx3)


def _embed_body(af_ref, ew_ref, eb_ref, ws_ref, cb_ref, x_ref, p_ref):
    x = jnp.dot(af_ref[...], ew_ref[...], preferred_element_type=jnp.float32)
    x = x + eb_ref[...]
    x_ref[...] = x
    p_ref[...] = jnp.dot(x, ws_ref[...], preferred_element_type=jnp.float32) + cb_ref[...]


def _embed(atom_fea, emb_W, emb_b, w_self, conv_b):
    bt = 1000
    return pl.pallas_call(
        _embed_body,
        grid=(N // bt,),
        in_specs=[
            pl.BlockSpec((bt, ORIG), lambda i: (i, 0)),
            pl.BlockSpec((ORIG, AF), lambda i: (0, 0)),
            pl.BlockSpec((1, AF), lambda i: (0, 0)),
            pl.BlockSpec((AF, 2 * AF), lambda i: (0, 0)),
            pl.BlockSpec((1, 2 * AF), lambda i: (0, 0)),
        ],
        out_specs=[
            pl.BlockSpec((bt, AF), lambda i: (i, 0)),
            pl.BlockSpec((bt, 2 * AF), lambda i: (i, 0)),
        ],
        out_shape=[
            jax.ShapeDtypeStruct((N, AF), jnp.float32),
            jax.ShapeDtypeStruct((N, 2 * AF), jnp.float32),
        ],
    )(atom_fea, emb_W, emb_b.reshape(1, AF), w_self, conv_b.reshape(1, 2 * AF))


def _edge_pair_h(gx_ref, nf_ref, wn_ref, we_ref):
    gx = gx_ref[...]
    nf = nf_ref[...]
    he = jnp.dot(gx[:, :AF], wn_ref[...], preferred_element_type=jnp.float32)
    he = he + jnp.dot(nf[:, :NBR], we_ref[...], preferred_element_type=jnp.float32)
    ho = jnp.dot(gx[:, AF:], wn_ref[...], preferred_element_type=jnp.float32)
    ho = ho + jnp.dot(nf[:, NBR:], we_ref[...], preferred_element_type=jnp.float32)
    return he, ho


def _stats_body(gx_ref, nf_ref, p_ref, wn_ref, we_ref, sum_ref, sq_ref, m0_ref, m0s):
    i = pl.program_id(0)
    he, ho = _edge_pair_h(gx_ref, nf_ref, wn_ref, we_ref)
    p = p_ref[...]
    pb = jnp.broadcast_to(p[:, None, :], (AT, MH, 2 * AF)).reshape(ETH, 2 * AF)
    ge = he + pb
    go = ho + pb

    @pl.when(i == 0)
    def _():
        m0 = (jnp.sum(ge, axis=0, keepdims=True)
              + jnp.sum(go, axis=0, keepdims=True)) * (1.0 / ET)
        m0s[...] = m0
        m0_ref[...] = m0
        sum_ref[...] = jnp.zeros_like(sum_ref)
        sq_ref[...] = jnp.zeros_like(sq_ref)

    m0 = m0s[...]
    d = ge - m0
    e = go - m0
    sum_ref[...] += (jnp.sum(d, axis=0, keepdims=True)
                     + jnp.sum(e, axis=0, keepdims=True))
    sq_ref[...] += (jnp.sum(d * d, axis=0, keepdims=True)
                    + jnp.sum(e * e, axis=0, keepdims=True))


def _stats(gx, nf2, p, w_nbr, w_edge):
    return pl.pallas_call(
        _stats_body,
        grid=(GRID_E,),
        in_specs=[
            pl.BlockSpec((ETH, 2 * AF), lambda i: (i, 0)),
            pl.BlockSpec((ETH, 2 * NBR), lambda i: (i, 0)),
            pl.BlockSpec((AT, 2 * AF), lambda i: (i, 0)),
            pl.BlockSpec((AF, 2 * AF), lambda i: (0, 0)),
            pl.BlockSpec((NBR, 2 * AF), lambda i: (0, 0)),
        ],
        out_specs=[
            pl.BlockSpec((1, 2 * AF), lambda i: (0, 0)),
            pl.BlockSpec((1, 2 * AF), lambda i: (0, 0)),
            pl.BlockSpec((1, 2 * AF), lambda i: (0, 0)),
        ],
        out_shape=[
            jax.ShapeDtypeStruct((1, 2 * AF), jnp.float32),
            jax.ShapeDtypeStruct((1, 2 * AF), jnp.float32),
            jax.ShapeDtypeStruct((1, 2 * AF), jnp.float32),
        ],
        scratch_shapes=[
            pltpu.VMEM((1, 2 * AF), jnp.float32),
        ],
    )(gx, nf2, p, w_nbr, w_edge)


def _apply_body(gx_ref, nf_ref, p_ref, wn_ref, we_ref, s1_ref, q1_ref, m0_ref,
                g1_ref, b1_ref, ns_ref, s2_ref, q2_ref, m2_ref, coef, m2s):
    i = pl.program_id(0)

    @pl.when(i == 0)
    def _():
        dmu = s1_ref[...] * (1.0 / _FE)
        mu = m0_ref[...] + dmu
        var = q1_ref[...] * (1.0 / _FE) - dmu * dmu
        scale = g1_ref[...] / jnp.sqrt(var + _EPS)
        coef[0:1, :] = scale
        coef[1:2, :] = b1_ref[...] - mu * scale

    he, ho = _edge_pair_h(gx_ref, nf_ref, wn_ref, we_ref)
    scale = coef[0:1, :]
    shift = coef[1:2, :]
    pc = p_ref[...] * scale + shift
    pcb = jnp.broadcast_to(pc[:, None, :], (AT, MH, 2 * AF)).reshape(ETH, 2 * AF)
    qe = he * scale + pcb
    qo = ho * scale + pcb
    pe = jax.nn.sigmoid(qe[:, :AF]) * _softplus(qe[:, AF:])
    po = jax.nn.sigmoid(qo[:, :AF]) * _softplus(qo[:, AF:])
    ns = (jnp.sum(pe.reshape(AT, MH, AF), axis=1)
          + jnp.sum(po.reshape(AT, MH, AF), axis=1))
    ns_ref[...] = ns

    @pl.when(i == 0)
    def _():
        m2 = jnp.sum(ns, axis=0, keepdims=True) * (1.0 / AT)
        m2s[...] = m2
        m2_ref[...] = m2
        s2_ref[...] = jnp.zeros_like(s2_ref)
        q2_ref[...] = jnp.zeros_like(q2_ref)

    d = ns - m2s[...]
    s2_ref[...] += jnp.sum(d, axis=0, keepdims=True)
    q2_ref[...] += jnp.sum(d * d, axis=0, keepdims=True)


def _apply(gx, nf2, p, w_nbr, w_edge, s1, q1, m0, bn1_g, bn1_b):
    return pl.pallas_call(
        _apply_body,
        grid=(GRID_E,),
        in_specs=[
            pl.BlockSpec((ETH, 2 * AF), lambda i: (i, 0)),
            pl.BlockSpec((ETH, 2 * NBR), lambda i: (i, 0)),
            pl.BlockSpec((AT, 2 * AF), lambda i: (i, 0)),
            pl.BlockSpec((AF, 2 * AF), lambda i: (0, 0)),
            pl.BlockSpec((NBR, 2 * AF), lambda i: (0, 0)),
            pl.BlockSpec((1, 2 * AF), lambda i: (0, 0)),
            pl.BlockSpec((1, 2 * AF), lambda i: (0, 0)),
            pl.BlockSpec((1, 2 * AF), lambda i: (0, 0)),
            pl.BlockSpec((1, 2 * AF), lambda i: (0, 0)),
            pl.BlockSpec((1, 2 * AF), lambda i: (0, 0)),
        ],
        out_specs=[
            pl.BlockSpec((AT, AF), lambda i: (i, 0)),
            pl.BlockSpec((1, AF), lambda i: (0, 0)),
            pl.BlockSpec((1, AF), lambda i: (0, 0)),
            pl.BlockSpec((1, AF), lambda i: (0, 0)),
        ],
        out_shape=[
            jax.ShapeDtypeStruct((N, AF), jnp.float32),
            jax.ShapeDtypeStruct((1, AF), jnp.float32),
            jax.ShapeDtypeStruct((1, AF), jnp.float32),
            jax.ShapeDtypeStruct((1, AF), jnp.float32),
        ],
        scratch_shapes=[
            pltpu.VMEM((2, 2 * AF), jnp.float32),
            pltpu.VMEM((1, AF), jnp.float32),
        ],
    )(gx, nf2, p, w_nbr, w_edge, s1, q1, m0,
      bn1_g.reshape(1, 2 * AF), bn1_b.reshape(1, 2 * AF))


def _bn2_coefs(s2_ref, q2_ref, m2_ref, g2_ref, b2_ref):
    dmu = s2_ref[...] * (1.0 / _FN)
    mu = m2_ref[...] + dmu
    var = q2_ref[...] * (1.0 / _FN) - dmu * dmu
    scale = g2_ref[...] / jnp.sqrt(var + _EPS)
    shift = b2_ref[...] - mu * scale
    return scale, shift


def _update_body_p(x_ref, ns_ref, s2_ref, q2_ref, m2_ref, g2_ref, b2_ref,
                   ws_ref, cb_ref, xo_ref, p_ref):
    scale, shift = _bn2_coefs(s2_ref, q2_ref, m2_ref, g2_ref, b2_ref)
    xn = _softplus(x_ref[...] + ns_ref[...] * scale + shift)
    xo_ref[...] = xn
    p_ref[...] = jnp.dot(xn, ws_ref[...], preferred_element_type=jnp.float32) + cb_ref[...]


def _update_body(x_ref, ns_ref, s2_ref, q2_ref, m2_ref, g2_ref, b2_ref, xo_ref):
    scale, shift = _bn2_coefs(s2_ref, q2_ref, m2_ref, g2_ref, b2_ref)
    xo_ref[...] = _softplus(x_ref[...] + ns_ref[...] * scale + shift)


def _update(x, ns, s2, q2, m2, bn2_g, bn2_b, w_self=None, conv_b=None):
    bt = 1000
    base_specs = [
        pl.BlockSpec((bt, AF), lambda i: (i, 0)),
        pl.BlockSpec((bt, AF), lambda i: (i, 0)),
        pl.BlockSpec((1, AF), lambda i: (0, 0)),
        pl.BlockSpec((1, AF), lambda i: (0, 0)),
        pl.BlockSpec((1, AF), lambda i: (0, 0)),
        pl.BlockSpec((1, AF), lambda i: (0, 0)),
        pl.BlockSpec((1, AF), lambda i: (0, 0)),
    ]
    args = (x, ns, s2, q2, m2, bn2_g.reshape(1, AF), bn2_b.reshape(1, AF))
    if w_self is None:
        return pl.pallas_call(
            _update_body,
            grid=(N // bt,),
            in_specs=base_specs,
            out_specs=pl.BlockSpec((bt, AF), lambda i: (i, 0)),
            out_shape=jax.ShapeDtypeStruct((N, AF), jnp.float32),
        )(*args)
    return pl.pallas_call(
        _update_body_p,
        grid=(N // bt,),
        in_specs=base_specs + [
            pl.BlockSpec((AF, 2 * AF), lambda i: (0, 0)),
            pl.BlockSpec((1, 2 * AF), lambda i: (0, 0)),
        ],
        out_specs=[
            pl.BlockSpec((bt, AF), lambda i: (i, 0)),
            pl.BlockSpec((bt, 2 * AF), lambda i: (i, 0)),
        ],
        out_shape=[
            jax.ShapeDtypeStruct((N, AF), jnp.float32),
            jax.ShapeDtypeStruct((N, 2 * AF), jnp.float32),
        ],
    )(*args, w_self, conv_b.reshape(1, 2 * AF))


def _head_body(x_ref, fw_ref, fb_ref, ow_ref, ob_ref, out_ref):
    crys = jnp.mean(x_ref[...].reshape(NCRY, PER, AF), axis=1)
    h = _softplus(
        jnp.dot(_softplus(crys), fw_ref[...], preferred_element_type=jnp.float32)
        + fb_ref[...]
    )
    out_ref[...] = jnp.dot(h, ow_ref[...], preferred_element_type=jnp.float32) + ob_ref[...]


def _head(x, fc_W, fc_b, out_W, out_b):
    return pl.pallas_call(
        _head_body,
        in_specs=[
            pl.BlockSpec((N, AF), lambda: (0, 0)),
            pl.BlockSpec((AF, HF), lambda: (0, 0)),
            pl.BlockSpec((1, HF), lambda: (0, 0)),
            pl.BlockSpec((HF, 1), lambda: (0, 0)),
            pl.BlockSpec((1, 1), lambda: (0, 0)),
        ],
        out_specs=pl.BlockSpec((NCRY, 1), lambda: (0, 0)),
        out_shape=jax.ShapeDtypeStruct((NCRY, 1), jnp.float32),
    )(x, fc_W, fc_b.reshape(1, HF), out_W, out_b.reshape(1, 1))


def kernel(atom_fea, nbr_fea, nbr_fea_idx, crystal_atom_idx, atom_type,
           nbr_type, nbr_dist, pair_type, global_fea, pool_atom_idx,
           emb_W, emb_b, convW, convb, bn1_g, bn1_b, bn2_g, bn2_b,
           fc_W, fc_b, out_W, out_b):
    flat_idx = nbr_fea_idx.astype(jnp.int32).reshape(-1)
    fi = jnp.concatenate([flat_idx, jnp.zeros((E_PAD - E,), jnp.int32)])
    idx3 = fi.reshape(NW, KCH, GB, 2).transpose(0, 1, 3, 2).reshape(NW, 2 * KCH, GB)

    w_self = convW[:, :AF, :]
    w_nbr = convW[:, AF:2 * AF, :]
    w_edge = convW[:, 2 * AF:, :].astype(jnp.bfloat16)
    nf2 = nbr_fea.reshape(EH, 2 * NBR).astype(jnp.bfloat16)

    x, p = _embed(atom_fea, emb_W, emb_b, w_self[0], convb[0])

    for i in range(NCONV):
        gx = _sc_gather(x, idx3)
        s1, q1, m0 = _stats(gx, nf2, p, w_nbr[i], w_edge[i])
        ns, s2, q2, m2 = _apply(gx, nf2, p, w_nbr[i], w_edge[i], s1, q1, m0,
                                bn1_g[i], bn1_b[i])
        if i + 1 < NCONV:
            x, p = _update(x, ns, s2, q2, m2, bn2_g[i], bn2_b[i],
                           w_self[i + 1], convb[i + 1])
        else:
            x = _update(x, ns, s2, q2, m2, bn2_g[i], bn2_b[i])

    return _head(x, fc_W, fc_b, out_W, out_b)

# --- scband reference (transcript-rebuilt; emitter-appended) ---
"""Pipeline reference for scband-crystal-graph-conv-net-42958262894678 (READ-ONLY COPY).

The authoritative reference and input builder live on the scoring server;
editing this copy changes nothing except your own understanding.
"""

import jax, jax.numpy as jnp
import numpy as np

N = 10000
M = 32
ORIG = 92
NBR = 16
AF = 64
HF = 128
NCONV = 3
NC = 100
PER = 100


def _softplus(x):
    return jnp.logaddexp(x, 0.0)


def setup_inputs(seed: int = 0):
    key = jax.random.key(seed)
    ks = jax.random.split(key, 16)
    inp = {}
    inp["atom_fea"] = jax.random.normal(ks[0], (N, ORIG), dtype=jnp.float32)
    inp["nbr_fea"] = jax.random.normal(ks[1], (N, M, NBR), dtype=jnp.float32)
    inp["nbr_fea_idx"] = jax.random.randint(ks[2], (N, M), 0, N)
    inp["crystal_atom_idx"] = jnp.arange(N).reshape(NC, PER)
    inp["atom_type"] = jax.random.randint(ks[3], (N,), 0, 92)
    inp["nbr_type"] = jax.random.randint(ks[4], (N, M), 0, 92)
    inp["nbr_dist"] = jax.random.uniform(ks[5], (N, M), dtype=jnp.float32)
    inp["pair_type"] = jax.random.randint(ks[6], (N, M), 0, 10)
    inp["global_fea"] = jnp.zeros((NC, 0), dtype=jnp.float32)
    inp["pool_atom_idx"] = jnp.arange(N).reshape(NC, PER)
    inp["emb_W"] = jax.random.normal(ks[7], (ORIG, AF), dtype=jnp.float32) * 0.05
    inp["emb_b"] = jnp.zeros((AF,), dtype=jnp.float32)
    inp["convW"] = jax.random.normal(ks[8], (NCONV, 2 * AF + NBR, 2 * AF), dtype=jnp.float32) * 0.05
    inp["convb"] = jnp.zeros((NCONV, 2 * AF), dtype=jnp.float32)
    inp["bn1_g"] = jnp.ones((NCONV, 2 * AF), dtype=jnp.float32)
    inp["bn1_b"] = jnp.zeros((NCONV, 2 * AF), dtype=jnp.float32)
    inp["bn2_g"] = jnp.ones((NCONV, AF), dtype=jnp.float32)
    inp["bn2_b"] = jnp.zeros((NCONV, AF), dtype=jnp.float32)
    inp["fc_W"] = jax.random.normal(ks[9], (AF, HF), dtype=jnp.float32) * 0.05
    inp["fc_b"] = jnp.zeros((HF,), dtype=jnp.float32)
    inp["out_W"] = jax.random.normal(ks[10], (HF, 1), dtype=jnp.float32) * 0.05
    inp["out_b"] = jnp.zeros((1,), dtype=jnp.float32)
    return inp


def _forward(atom_fea, nbr_fea, global_fea, emb_W, emb_b, convW, convb, bn1_g, bn1_b, bn2_g, bn2_b, fc_W, fc_b, out_W, out_b, nbr_fea_idx, pool_atom_idx):
    x = atom_fea @ emb_W + emb_b
    for i in range(NCONV):
        atom_nbr_fea = x[nbr_fea_idx]  # gather [N, M, AF]
        self_exp = jnp.broadcast_to(x[:, None, :], (N, M, AF))
        total_nbr_fea = jnp.concatenate([self_exp, atom_nbr_fea, nbr_fea], axis=2)
        gated = total_nbr_fea @ convW[i] + convb[i]
        flat = gated.reshape(-1, 2 * AF)
        mu = jnp.mean(flat, axis=0)
        var = jnp.var(flat, axis=0)
        flat = (flat - mu) / jnp.sqrt(var + 1e-5) * bn1_g[i] + bn1_b[i]
        gated = flat.reshape(N, M, 2 * AF)
        nbr_filter = jax.nn.sigmoid(gated[..., :AF])
        nbr_core = _softplus(gated[..., AF:])
        nbr_sumed = jnp.sum(nbr_filter * nbr_core, axis=1)
        mu2 = jnp.mean(nbr_sumed, axis=0)
        var2 = jnp.var(nbr_sumed, axis=0)
        nbr_sumed = (nbr_sumed - mu2) / jnp.sqrt(var2 + 1e-5) * bn2_g[i] + bn2_b[i]
        x = _softplus(x + nbr_sumed)
    crys = jnp.mean(x[pool_atom_idx], axis=1)  # 'all' pooling: mean per crystal
    crys = jnp.concatenate([crys, global_fea], axis=1)  # global_fea_len=0
    h = _softplus(_softplus(crys) @ fc_W + fc_b)
    return h @ out_W + out_b


def reference(atom_fea, nbr_fea, nbr_fea_idx, crystal_atom_idx, atom_type, nbr_type, nbr_dist, pair_type, global_fea, pool_atom_idx, emb_W, emb_b, convW, convb, bn1_g, bn1_b, bn2_g, bn2_b, fc_W, fc_b, out_W, out_b):
    return _forward(atom_fea, nbr_fea, global_fea, emb_W, emb_b, convW, convb, bn1_g, bn1_b, bn2_g, bn2_b, fc_W, fc_b, out_W, out_b, nbr_fea_idx, pool_atom_idx)


if False:  # reference __main__ guard neutralized (emitter)
    out = reference(**setup_inputs())
    print(out.shape)

if __name__ == "__main__":
    import jax
    _d = setup_inputs()
    print(jax.jit(kernel)(*tuple(_d.values())))

</pallas_src>

<mosaic_0001>
#map = affine_map<(d0, d1) -> (0, 0)>
#map1 = affine_map<(d0, d1) -> (0, 0, 0)>
module attributes {stable_mosaic.version = 14 : i64} {
  func.func @gather_k(%arg0: i32, %arg1: i32, %arg2: memref<10000x64xf32, #tpu.memory_space<hbm>>, %arg3: memref<32x160x64xi32, #tpu.memory_space<hbm>>, %arg4: memref<163840x128xf32, #tpu.memory_space<hbm>>, %arg5: memref<160x64xi32, #tpu.memory_space<vmem>>, %arg6: memref<64x64xf32, #tpu.memory_space<vmem>>, %arg7: memref<64x64xf32, #tpu.memory_space<vmem>>, %arg8: memref<!tpu.dma_semaphore, #tpu.memory_space<semaphore_mem>>, %arg9: memref<!tpu.dma_semaphore, #tpu.memory_space<semaphore_mem>>) attributes {dimension_semantics = [#tpu.dimension_semantics<core_parallel>, #tpu.dimension_semantics<subcore_parallel>], iteration_bounds = array<i64: 2, 16>, scalar_prefetch = 0 : i64, scratch_operands = 5 : i64, tpu.core_type = #tpu.core_type<sc_vector_subcore>, window_params = [{transform_indices = #map}, {transform_indices = #map1}, {transform_indices = #map}]} {
    %mul3A = arith.constant 2 : i32
    %mul3A_0 = arith.muli %arg1, %mul3A : i32
    %add3A = arith.addi %mul3A_0, %arg0 : i32
    %mul3A_1 = arith.constant 5120 : i32
    %mul3A_2 = arith.muli %add3A, %mul3A_1 : i32
    "tpu.region"() ({
      %run_scoped3A = tpu.sem_alloc : memref<!tpu.dma_semaphore, #tpu.memory_space<semaphore_mem>>
      %dma_start3A = arith.constant 0 : i32
      %dma_start3A_8 = arith.constant 0 : i32
      %dma_start3A_9 = tpu.memref_slice %arg3[%add3A, %dma_start3A, %dma_start3A_8] : memref<32x160x64xi32, #tpu.memory_space<hbm>> -> memref<1x160x64xi32, #tpu.memory_space<hbm>>
      %dma_start3A_10 = tpu.memref_squeeze %dma_start3A_9 : memref<1x160x64xi32, #tpu.memory_space<hbm>> -> memref<160x64xi32, #tpu.memory_space<hbm>>
      %dma_start3A_11 = arith.constant 0 : i32
      %dma_start3A_12 = arith.constant 0 : i32
      %dma_start3A_13 = tpu.memref_slice %arg3[%add3A, %dma_start3A_11, %dma_start3A_12] : memref<32x160x64xi32, #tpu.memory_space<hbm>> -> memref<1x160x64xi32, #tpu.memory_space<hbm>>
      %dma_start3A_14 = tpu.memref_squeeze %dma_start3A_13 : memref<1x160x64xi32, #tpu.memory_space<hbm>> -> memref<160x64xi32, #tpu.memory_space<hbm>>
      tpu.enqueue_dma source(%dma_start3A_14 : memref<160x64xi32, #tpu.memory_space<hbm>>) target(%arg5 : memref<160x64xi32, #tpu.memory_space<vmem>>) target_semaphore(%run_scoped3A : memref<!tpu.dma_semaphore, #tpu.memory_space<semaphore_mem>>)
      %dma_wait3A = arith.constant 0 : i32
      %dma_wait3A_15 = arith.constant 0 : i32
      %dma_wait3A_16 = tpu.memref_slice %arg3[%add3A, %dma_wait3A, %dma_wait3A_15] : memref<32x160x64xi32, #tpu.memory_space<hbm>> -> memref<1x160x64xi32, #tpu.memory_space<hbm>>
      %dma_wait3A_17 = tpu.memref_squeeze %dma_wait3A_16 : memref<1x160x64xi32, #tpu.memory_space<hbm>> -> memref<160x64xi32, #tpu.memory_space<hbm>>
      %dma_wait3A_18 = arith.constant 0 : i32
      %dma_wait3A_19 = arith.constant 0 : i32
      %dma_wait3A_20 = tpu.memref_slice %arg3[%add3A, %dma_wait3A_18, %dma_wait3A_19] : memref<32x160x64xi32, #tpu.memory_space<hbm>> -> memref<1x160x64xi32, #tpu.memory_space<hbm>>
      %dma_wait3A_21 = tpu.memref_squeeze %dma_wait3A_20 : memref<1x160x64xi32, #tpu.memory_space<hbm>> -> memref<160x64xi32, #tpu.memory_space<hbm>>
      tpu.wait_dma2 semaphore(%run_scoped3A : memref<!tpu.dma_semaphore, #tpu.memory_space<semaphore_mem>>) src(%dma_wait3A_21 : memref<160x64xi32, #tpu.memory_space<hbm>>) dst(%arg5 : memref<160x64xi32, #tpu.memory_space<vmem>>)
      tpu.yield
    }) : () -> ()
    %scan3A = arith.constant 0 : i32
    %scan3A_3 = arith.constant 0 : i32
    %scan3A_4 = arith.constant 80 : i32
    %scan3A_5 = arith.addi %scan3A_3, %scan3A_4 : i32
    %scan3A_6 = arith.constant 1 : i32
    scf.for %scan3A_8 = %scan3A_3 to %scan3A_5 step %scan3A_6  : i32 {
      %mul3A_9 = arith.constant 2 : i32
      %mul3A_10 = arith.muli %mul3A_9, %scan3A_8 : i32
      %dma_start3A = arith.constant 0 : i32
      %dma_start3A_11 = tpu.memref_slice %arg5[%mul3A_10, %dma_start3A] : memref<160x64xi32, #tpu.memory_space<vmem>> -> memref<1x64xi32, #tpu.memory_space<vmem>>
      %dma_start3A_12 = tpu.memref_squeeze %dma_start3A_11 : memref<1x64xi32, #tpu.memory_space<vmem>> -> memref<64xi32, #tpu.memory_space<vmem>>
      %dma_start3A_13 = arith.constant 0 : i32
      %dma_start3A_14 = arith.constant 0 : i32
      %dma_start3A_15 = tpu.memref_slice %arg2[%dma_start3A_13, %dma_start3A_14] : memref<10000x64xf32, #tpu.memory_space<hbm>> -> memref<10000x64xf32, #tpu.memory_space<hbm>>
      tpu.enqueue_indirect_dma source(%dma_start3A_15 : memref<10000x64xf32, #tpu.memory_space<hbm>>) target(%arg6 : memref<64x64xf32, #tpu.memory_space<vmem>>) offsets(%dma_start3A_12 : memref<64xi32, #tpu.memory_space<vmem>>) semaphore(%arg8 : memref<!tpu.dma_semaphore, #tpu.memory_space<semaphore_mem>>)
      %mul3A_16 = arith.constant 2 : i32
      %mul3A_17 = arith.muli %mul3A_16, %scan3A_8 : i32
      %add3A_18 = arith.constant 1 : i32
      %add3A_19 = arith.addi %mul3A_17, %add3A_18 : i32
      %dma_start3A_20 = arith.constant 0 : i32
      %dma_start3A_21 = tpu.memref_slice %arg5[%add3A_19, %dma_start3A_20] : memref<160x64xi32, #tpu.memory_space<vmem>> -> memref<1x64xi32, #tpu.memory_space<vmem>>
      %dma_start3A_22 = tpu.memref_squeeze %dma_start3A_21 : memref<1x64xi32, #tpu.memory_space<vmem>> -> memref<64xi32, #tpu.memory_space<vmem>>
      %dma_start3A_23 = arith.constant 0 : i32
      %dma_start3A_24 = arith.constant 0 : i32
      %dma_start3A_25 = tpu.memref_slice %arg2[%dma_start3A_23, %dma_start3A_24] : memref<10000x64xf32, #tpu.memory_space<hbm>> -> memref<10000x64xf32, #tpu.memory_space<hbm>>
      tpu.enqueue_indirect_dma source(%dma_start3A_25 : memref<10000x64xf32, #tpu.memory_space<hbm>>) target(%arg7 : memref<64x64xf32, #tpu.memory_space<vmem>>) offsets(%dma_start3A_22 : memref<64xi32, #tpu.memory_space<vmem>>) semaphore(%arg9 : memref<!tpu.dma_semaphore, #tpu.memory_space<semaphore_mem>>)
      %dma_wait3A = arith.constant 0 : i32
      %dma_wait3A_26 = tpu.memref_slice %arg5[%mul3A_10, %dma_wait3A] : memref<160x64xi32, #tpu.memory_space<vmem>> -> memref<1x64xi32, #tpu.memory_space<vmem>>
      %dma_wait3A_27 = tpu.memref_squeeze %dma_wait3A_26 : memref<1x64xi32, #tpu.memory_space<vmem>> -> memref<64xi32, #tpu.memory_space<vmem>>
      %dma_wait3A_28 = arith.constant 0 : i32
      %dma_wait3A_29 = arith.constant 0 : i32
      %dma_wait3A_30 = tpu.memref_slice %arg2[%dma_wait3A_28, %dma_wait3A_29] : memref<10000x64xf32, #tpu.memory_space<hbm>> -> memref<10000x64xf32, #tpu.memory_space<hbm>>
      tpu.wait_indirect_dma semaphore(%arg8 : memref<!tpu.dma_semaphore, #tpu.memory_space<semaphore_mem>>) src(%dma_wait3A_30 : memref<10000x64xf32, #tpu.memory_space<hbm>>) dst(%arg6 : memref<64x64xf32, #tpu.memory_space<vmem>>)
      %dma_wait3A_31 = arith.constant 0 : i32
      %dma_wait3A_32 = tpu.memref_slice %arg5[%add3A_19, %dma_wait3A_31] : memref<160x64xi32, #tpu.memory_space<vmem>> -> memref<1x64xi32, #tpu.memory_space<vmem>>
      %dma_wait3A_33 = tpu.memref_squeeze %dma_wait3A_32 : memref<1x64xi32, #tpu.memory_space<vmem>> -> memref<64xi32, #tpu.memory_space<vmem>>
      %dma_wait3A_34 = arith.constant 0 : i32
      %dma_wait3A_35 = arith.constant 0 : i32
      %dma_wait3A_36 = tpu.memref_slice %arg2[%dma_wait3A_34, %dma_wait3A_35] : memref<10000x64xf32, #tpu.memory_space<hbm>> -> memref<10000x64xf32, #tpu.memory_space<hbm>>
      tpu.wait_indirect_dma semaphore(%arg9 : memref<!tpu.dma_semaphore, #tpu.memory_space<semaphore_mem>>) src(%dma_wait3A_36 : memref<10000x64xf32, #tpu.memory_space<hbm>>) dst(%arg7 : memref<64x64xf32, #tpu.memory_space<vmem>>)
      %mul3A_37 = arith.constant 64 : i32
      %mul3A_38 = arith.muli %scan3A_8, %mul3A_37 : i32
      %add3A_39 = arith.addi %mul3A_2, %mul3A_38 : i32
      "tpu.region"() ({
        %run_scoped3A = tpu.sem_alloc : memref<!tpu.dma_semaphore, #tpu.memory_space<semaphore_mem>>
        %dma_start3A_40 = arith.constant 0 : i32
        %dma_start3A_41 = tpu.memref_slice %arg4[%add3A_39, %dma_start3A_40] : memref<163840x128xf32, #tpu.memory_space<hbm>> -> memref<64x64xf32, #tpu.memory_space<hbm>>
        %dma_start3A_42 = arith.constant 0 : i32
        %dma_start3A_43 = tpu.memref_slice %arg4[%add3A_39, %dma_start3A_42] : memref<163840x128xf32, #tpu.memory_space<hbm>> -> memref<64x64xf32, #tpu.memory_space<hbm>>
        tpu.enqueue_dma source(%arg6 : memref<64x64xf32, #tpu.memory_space<vmem>>) target(%dma_start3A_43 : memref<64x64xf32, #tpu.memory_space<hbm>>) target_semaphore(%run_scoped3A : memref<!tpu.dma_semaphore, #tpu.memory_space<semaphore_mem>>)
        %dma_wait3A_44 = arith.constant 0 : i32
        %dma_wait3A_45 = tpu.memref_slice %arg4[%add3A_39, %dma_wait3A_44] : memref<163840x128xf32, #tpu.memory_space<hbm>> -> memref<64x64xf32, #tpu.memory_space<hbm>>
        %dma_wait3A_46 = arith.constant 0 : i32
        %dma_wait3A_47 = tpu.memref_slice %arg4[%add3A_39, %dma_wait3A_46] : memref<163840x128xf32, #tpu.memory_space<hbm>> -> memref<64x64xf32, #tpu.memory_space<hbm>>
        tpu.wait_dma2 semaphore(%run_scoped3A : memref<!tpu.dma_semaphore, #tpu.memory_space<semaphore_mem>>) src(%arg6 : memref<64x64xf32, #tpu.memory_space<vmem>>) dst(%dma_wait3A_47 : memref<64x64xf32, #tpu.memory_space<hbm>>)
        tpu.yield
      }) : () -> ()
      "tpu.region"() ({
        %run_scoped3A = tpu.sem_alloc : memref<!tpu.dma_semaphore, #tpu.memory_space<semaphore_mem>>
        %dma_start3A_40 = arith.constant 64 : i32
        %dma_start3A_41 = tpu.memref_slice %arg4[%add3A_39, %dma_start3A_40] : memref<163840x128xf32, #tpu.memory_space<hbm>> -> memref<64x64xf32, #tpu.memory_space<hbm>>
        %dma_start3A_42 = arith.constant 64 : i32
        %dma_start3A_43 = tpu.memref_slice %arg4[%add3A_39, %dma_start3A_42] : memref<163840x128xf32, #tpu.memory_space<hbm>> -> memref<64x64xf32, #tpu.memory_space<hbm>>
        tpu.enqueue_dma source(%arg7 : memref<64x64xf32, #tpu.memory_space<vmem>>) target(%dma_start3A_43 : memref<64x64xf32, #tpu.memory_space<hbm>>) target_semaphore(%run_scoped3A : memref<!tpu.dma_semaphore, #tpu.memory_space<semaphore_mem>>)
        %dma_wait3A_44 = arith.constant 64 : i32
        %dma_wait3A_45 = tpu.memref_slice %arg4[%add3A_39, %dma_wait3A_44] : memref<163840x128xf32, #tpu.memory_space<hbm>> -> memref<64x64xf32, #tpu.memory_space<hbm>>
        %dma_wait3A_46 = arith.constant 64 : i32
        %dma_wait3A_47 = tpu.memref_slice %arg4[%add3A_39, %dma_wait3A_46] : memref<163840x128xf32, #tpu.memory_space<hbm>> -> memref<64x64xf32, #tpu.memory_space<hbm>>
        tpu.wait_dma2 semaphore(%run_scoped3A : memref<!tpu.dma_semaphore, #tpu.memory_space<semaphore_mem>>) src(%arg7 : memref<64x64xf32, #tpu.memory_space<vmem>>) dst(%dma_wait3A_47 : memref<64x64xf32, #tpu.memory_space<hbm>>)
        tpu.yield
      }) : () -> ()
    }
    %scan3A_7 = arith.constant 80 : i32
    return
  }
}

#map = affine_map<(d0, d1) -> (0, 0)>
#map1 = affine_map<(d0, d1) -> (0, 0, 0)>
module attributes {stable_mosaic.version = 14 : i64} {
  func.func @gather_k(%arg0: i32, %arg1: i32, %arg2: memref<10000x64xf32, #tpu.memory_space<hbm>>, %arg3: memref<32x160x64xi32, #tpu.memory_space<hbm>>, %arg4: memref<163840x128xf32, #tpu.memory_space<hbm>>, %arg5: memref<160x64xi32, #tpu.memory_space<vmem>>, %arg6: memref<64x64xf32, #tpu.memory_space<vmem>>, %arg7: memref<64x64xf32, #tpu.memory_space<vmem>>, %arg8: memref<!tpu.dma_semaphore, #tpu.memory_space<semaphore_mem>>, %arg9: memref<!tpu.dma_semaphore, #tpu.memory_space<semaphore_mem>>) attributes {dimension_semantics = [#tpu.dimension_semantics<core_parallel>, #tpu.dimension_semantics<subcore_parallel>], iteration_bounds = array<i64: 2, 16>, scalar_prefetch = 0 : i64, scratch_operands = 5 : i64, tpu.core_type = #tpu.core_type<sc_vector_subcore>, window_params = [{transform_indices = #map}, {transform_indices = #map1}, {transform_indices = #map}]} {
    %mul3A = arith.constant 2 : i32
    %mul3A_0 = arith.muli %arg1, %mul3A : i32
    %add3A = arith.addi %mul3A_0, %arg0 : i32
    %mul3A_1 = arith.constant 5120 : i32
    %mul3A_2 = arith.muli %add3A, %mul3A_1 : i32
    "tpu.region"() ({
      %run_scoped3A = tpu.sem_alloc : memref<!tpu.dma_semaphore, #tpu.memory_space<semaphore_mem>>
      %dma_start3A = arith.constant 0 : i32
      %dma_start3A_8 = arith.constant 0 : i32
      %dma_start3A_9 = tpu.memref_slice %arg3[%add3A, %dma_start3A, %dma_start3A_8] : memref<32x160x64xi32, #tpu.memory_space<hbm>> -> memref<1x160x64xi32, #tpu.memory_space<hbm>>
      %dma_start3A_10 = tpu.memref_squeeze %dma_start3A_9 : memref<1x160x64xi32, #tpu.memory_space<hbm>> -> memref<160x64xi32, #tpu.memory_space<hbm>>
      %dma_start3A_11 = arith.constant 0 : i32
      %dma_start3A_12 = arith.constant 0 : i32
      %dma_start3A_13 = tpu.memref_slice %arg3[%add3A, %dma_start3A_11, %dma_start3A_12] : memref<32x160x64xi32, #tpu.memory_space<hbm>> -> memref<1x160x64xi32, #tpu.memory_space<hbm>>
      %dma_start3A_14 = tpu.memref_squeeze %dma_start3A_13 : memref<1x160x64xi32, #tpu.memory_space<hbm>> -> memref<160x64xi32, #tpu.memory_space<hbm>>
      tpu.enqueue_dma source(%dma_start3A_14 : memref<160x64xi32, #tpu.memory_space<hbm>>) target(%arg5 : memref<160x64xi32, #tpu.memory_space<vmem>>) target_semaphore(%run_scoped3A : memref<!tpu.dma_semaphore, #tpu.memory_space<semaphore_mem>>)
      %dma_wait3A = arith.constant 0 : i32
      %dma_wait3A_15 = arith.constant 0 : i32
      %dma_wait3A_16 = tpu.memref_slice %arg3[%add3A, %dma_wait3A, %dma_wait3A_15] : memref<32x160x64xi32, #tpu.memory_space<hbm>> -> memref<1x160x64xi32, #tpu.memory_space<hbm>>
      %dma_wait3A_17 = tpu.memref_squeeze %dma_wait3A_16 : memref<1x160x64xi32, #tpu.memory_space<hbm>> -> memref<160x64xi32, #tpu.memory_space<hbm>>
      %dma_wait3A_18 = arith.constant 0 : i32
      %dma_wait3A_19 = arith.constant 0 : i32
      %dma_wait3A_20 = tpu.memref_slice %arg3[%add3A, %dma_wait3A_18, %dma_wait3A_19] : memref<32x160x64xi32, #tpu.memory_space<hbm>> -> memref<1x160x64xi32, #tpu.memory_space<hbm>>
      %dma_wait3A_21 = tpu.memref_squeeze %dma_wait3A_20 : memref<1x160x64xi32, #tpu.memory_space<hbm>> -> memref<160x64xi32, #tpu.memory_space<hbm>>
      tpu.wait_dma2 semaphore(%run_scoped3A : memref<!tpu.dma_semaphore, #tpu.memory_space<semaphore_mem>>) src(%dma_wait3A_21 : memref<160x64xi32, #tpu.memory_space<hbm>>) dst(%arg5 : memref<160x64xi32, #tpu.memory_space<vmem>>)
      tpu.yield
    }) : () -> ()
    %scan3A = arith.constant 0 : i32
    %scan3A_3 = arith.constant 0 : i32
    %scan3A_4 = arith.constant 80 : i32
    %scan3A_5 = arith.addi %scan3A_3, %scan3A_4 : i32
    %scan3A_6 = arith.constant 1 : i32
    scf.for %scan3A_8 = %scan3A_3 to %scan3A_5 step %scan3A_6  : i32 {
      %mul3A_9 = arith.constant 2 : i32
      %mul3A_10 = arith.muli %mul3A_9, %scan3A_8 : i32
      %dma_start3A = arith.constant 0 : i32
      %dma_start3A_11 = tpu.memref_slice %arg5[%mul3A_10, %dma_start3A] : memref<160x64xi32, #tpu.memory_space<vmem>> -> memref<1x64xi32, #tpu.memory_space<vmem>>
      %dma_start3A_12 = tpu.memref_squeeze %dma_start3A_11 : memref<1x64xi32, #tpu.memory_space<vmem>> -> memref<64xi32, #tpu.memory_space<vmem>>
      %dma_start3A_13 = arith.constant 0 : i32
      %dma_start3A_14 = arith.constant 0 : i32
      %dma_start3A_15 = tpu.memref_slice %arg2[%dma_start3A_13, %dma_start3A_14] : memref<10000x64xf32, #tpu.memory_space<hbm>> -> memref<10000x64xf32, #tpu.memory_space<hbm>>
      tpu.enqueue_indirect_dma source(%dma_start3A_15 : memref<10000x64xf32, #tpu.memory_space<hbm>>) target(%arg6 : memref<64x64xf32, #tpu.memory_space<vmem>>) offsets(%dma_start3A_12 : memref<64xi32, #tpu.memory_space<vmem>>) semaphore(%arg8 : memref<!tpu.dma_semaphore, #tpu.memory_space<semaphore_mem>>)
      %mul3A_16 = arith.constant 2 : i32
      %mul3A_17 = arith.muli %mul3A_16, %scan3A_8 : i32
      %add3A_18 = arith.constant 1 : i32
      %add3A_19 = arith.addi %mul3A_17, %add3A_18 : i32
      %dma_start3A_20 = arith.constant 0 : i32
      %dma_start3A_21 = tpu.memref_slice %arg5[%add3A_19, %dma_start3A_20] : memref<160x64xi32, #tpu.memory_space<vmem>> -> memref<1x64xi32, #tpu.memory_space<vmem>>
      %dma_start3A_22 = tpu.memref_squeeze %dma_start3A_21 : memref<1x64xi32, #tpu.memory_space<vmem>> -> memref<64xi32, #tpu.memory_space<vmem>>
      %dma_start3A_23 = arith.constant 0 : i32
      %dma_start3A_24 = arith.constant 0 : i32
      %dma_start3A_25 = tpu.memref_slice %arg2[%dma_start3A_23, %dma_start3A_24] : memref<10000x64xf32, #tpu.memory_space<hbm>> -> memref<10000x64xf32, #tpu.memory_space<hbm>>
      tpu.enqueue_indirect_dma source(%dma_start3A_25 : memref<10000x64xf32, #tpu.memory_space<hbm>>) target(%arg7 : memref<64x64xf32, #tpu.memory_space<vmem>>) offsets(%dma_start3A_22 : memref<64xi32, #tpu.memory_space<vmem>>) semaphore(%arg9 : memref<!tpu.dma_semaphore, #tpu.memory_space<semaphore_mem>>)
      %dma_wait3A = arith.constant 0 : i32
      %dma_wait3A_26 = tpu.memref_slice %arg5[%mul3A_10, %dma_wait3A] : memref<160x64xi32, #tpu.memory_space<vmem>> -> memref<1x64xi32, #tpu.memory_space<vmem>>
      %dma_wait3A_27 = tpu.memref_squeeze %dma_wait3A_26 : memref<1x64xi32, #tpu.memory_space<vmem>> -> memref<64xi32, #tpu.memory_space<vmem>>
      %dma_wait3A_28 = arith.constant 0 : i32
      %dma_wait3A_29 = arith.constant 0 : i32
      %dma_wait3A_30 = tpu.memref_slice %arg2[%dma_wait3A_28, %dma_wait3A_29] : memref<10000x64xf32, #tpu.memory_space<hbm>> -> memref<10000x64xf32, #tpu.memory_space<hbm>>
      tpu.wait_indirect_dma semaphore(%arg8 : memref<!tpu.dma_semaphore, #tpu.memory_space<semaphore_mem>>) src(%dma_wait3A_30 : memref<10000x64xf32, #tpu.memory_space<hbm>>) dst(%arg6 : memref<64x64xf32, #tpu.memory_space<vmem>>)
      %dma_wait3A_31 = arith.constant 0 : i32
      %dma_wait3A_32 = tpu.memref_slice %arg5[%add3A_19, %dma_wait3A_31] : memref<160x64xi32, #tpu.memory_space<vmem>> -> memref<1x64xi32, #tpu.memory_space<vmem>>
      %dma_wait3A_33 = tpu.memref_squeeze %dma_wait3A_32 : memref<1x64xi32, #tpu.memory_space<vmem>> -> memref<64xi32, #tpu.memory_space<vmem>>
      %dma_wait3A_34 = arith.constant 0 : i32
      %dma_wait3A_35 = arith.constant 0 : i32
      %dma_wait3A_36 = tpu.memref_slice %arg2[%dma_wait3A_34, %dma_wait3A_35] : memref<10000x64xf32, #tpu.memory_space<hbm>> -> memref<10000x64xf32, #tpu.memory_space<hbm>>
      tpu.wait_indirect_dma semaphore(%arg9 : memref<!tpu.dma_semaphore, #tpu.memory_space<semaphore_mem>>) src(%dma_wait3A_36 : memref<10000x64xf32, #tpu.memory_space<hbm>>) dst(%arg7 : memref<64x64xf32, #tpu.memory_space<vmem>>)
      %mul3A_37 = arith.constant 64 : i32
      %mul3A_38 = arith.muli %scan3A_8, %mul3A_37 : i32
      %add3A_39 = arith.addi %mul3A_2, %mul3A_38 : i32
      "tpu.region"() ({
        %run_scoped3A = tpu.sem_alloc : memref<!tpu.dma_semaphore, #tpu.memory_space<semaphore_mem>>
        %dma_start3A_40 = arith.constant 0 : i32
        %dma_start3A_41 = tpu.memref_slice %arg4[%add3A_39, %dma_start3A_40] : memref<163840x128xf32, #tpu.memory_space<hbm>> -> memref<64x64xf32, #tpu.memory_space<hbm>>
        %dma_start3A_42 = arith.constant 0 : i32
        %dma_start3A_43 = tpu.memref_slice %arg4[%add3A_39, %dma_start3A_42] : memref<163840x128xf32, #tpu.memory_space<hbm>> -> memref<64x64xf32, #tpu.memory_space<hbm>>
        tpu.enqueue_dma source(%arg6 : memref<64x64xf32, #tpu.memory_space<vmem>>) target(%dma_start3A_43 : memref<64x64xf32, #tpu.memory_space<hbm>>) target_semaphore(%run_scoped3A : memref<!tpu.dma_semaphore, #tpu.memory_space<semaphore_mem>>)
        %dma_wait3A_44 = arith.constant 0 : i32
        %dma_wait3A_45 = tpu.memref_slice %arg4[%add3A_39, %dma_wait3A_44] : memref<163840x128xf32, #tpu.memory_space<hbm>> -> memref<64x64xf32, #tpu.memory_space<hbm>>
        %dma_wait3A_46 = arith.constant 0 : i32
        %dma_wait3A_47 = tpu.memref_slice %arg4[%add3A_39, %dma_wait3A_46] : memref<163840x128xf32, #tpu.memory_space<hbm>> -> memref<64x64xf32, #tpu.memory_space<hbm>>
        tpu.wait_dma2 semaphore(%run_scoped3A : memref<!tpu.dma_semaphore, #tpu.memory_space<semaphore_mem>>) src(%arg6 : memref<64x64xf32, #tpu.memory_space<vmem>>) dst(%dma_wait3A_47 : memref<64x64xf32, #tpu.memory_space<hbm>>)
        tpu.yield
      }) : () -> ()
      "tpu.region"() ({
        %run_scoped3A = tpu.sem_alloc : memref<!tpu.dma_semaphore, #tpu.memory_space<semaphore_mem>>
        %dma_start3A_40 = arith.constant 64 : i32
        %dma_start3A_41 = tpu.memref_slice %arg4[%add3A_39, %dma_start3A_40] : memref<163840x128xf32, #tpu.memory_space<hbm>> -> memref<64x64xf32, #tpu.memory_space<hbm>>
        %dma_start3A_42 = arith.constant 64 : i32
        %dma_start3A_43 = tpu.memref_slice %arg4[%add3A_39, %dma_start3A_42] : memref<163840x128xf32, #tpu.memory_space<hbm>> -> memref<64x64xf32, #tpu.memory_space<hbm>>
        tpu.enqueue_dma source(%arg7 : memref<64x64xf32, #tpu.memory_space<vmem>>) target(%dma_start3A_43 : memref<64x64xf32, #tpu.memory_space<hbm>>) target_semaphore(%run_scoped3A : memref<!tpu.dma_semaphore, #tpu.memory_space<semaphore_mem>>)
        %dma_wait3A_44 = arith.constant 64 : i32
        %dma_wait3A_45 = tpu.memref_slice %arg4[%add3A_39, %dma_wait3A_44] : memref<163840x128xf32, #tpu.memory_space<hbm>> -> memref<64x64xf32, #tpu.memory_space<hbm>>
        %dma_wait3A_46 = arith.constant 64 : i32
        %dma_wait3A_47 = tpu.memref_slice %arg4[%add3A_39, %dma_wait3A_46] : memref<163840x128xf32, #tpu.memory_space<hbm>> -> memref<64x64xf32, #tpu.memory_space<hbm>>
        tpu.wait_dma2 semaphore(%run_scoped3A : memref<!tpu.dma_semaphore, #tpu.memory_space<semaphore_mem>>) src(%arg7 : memref<64x64xf32, #tpu.memory_space<vmem>>) dst(%dma_wait3A_47 : memref<64x64xf32, #tpu.memory_space<hbm>>)
        tpu.yield
      }) : () -> ()
    }
    %scan3A_7 = arith.constant 80 : i32
    return
  }
}

#map = affine_map<(d0, d1) -> (0, 0)>
#map1 = affine_map<(d0, d1) -> (0, 0, 0)>
module attributes {stable_mosaic.version = 14 : i64} {
  func.func @gather_k(%arg0: i32, %arg1: i32, %arg2: memref<10000x64xf32, #tpu.memory_space<hbm>>, %arg3: memref<32x160x64xi32, #tpu.memory_space<hbm>>, %arg4: memref<163840x128xf32, #tpu.memory_space<hbm>>, %arg5: memref<160x64xi32, #tpu.memory_space<vmem>>, %arg6: memref<64x64xf32, #tpu.memory_space<vmem>>, %arg7: memref<64x64xf32, #tpu.memory_space<vmem>>, %arg8: memref<!tpu.dma_semaphore, #tpu.memory_space<semaphore_mem>>, %arg9: memref<!tpu.dma_semaphore, #tpu.memory_space<semaphore_mem>>) attributes {dimension_semantics = [#tpu.dimension_semantics<core_parallel>, #tpu.dimension_semantics<subcore_parallel>], iteration_bounds = array<i64: 2, 16>, scalar_prefetch = 0 : i64, scratch_operands = 5 : i64, tpu.core_type = #tpu.core_type<sc_vector_subcore>, window_params = [{transform_indices = #map}, {transform_indices = #map1}, {transform_indices = #map}]} {
    %mul3A = arith.constant 2 : i32
    %mul3A_0 = arith.muli %arg1, %mul3A : i32
    %add3A = arith.addi %mul3A_0, %arg0 : i32
    %mul3A_1 = arith.constant 5120 : i32
    %mul3A_2 = arith.muli %add3A, %mul3A_1 : i32
    "tpu.region"() ({
      %run_scoped3A = tpu.sem_alloc : memref<!tpu.dma_semaphore, #tpu.memory_space<semaphore_mem>>
      %dma_start3A = arith.constant 0 : i32
      %dma_start3A_8 = arith.constant 0 : i32
      %dma_start3A_9 = tpu.memref_slice %arg3[%add3A, %dma_start3A, %dma_start3A_8] : memref<32x160x64xi32, #tpu.memory_space<hbm>> -> memref<1x160x64xi32, #tpu.memory_space<hbm>>
      %dma_start3A_10 = tpu.memref_squeeze %dma_start3A_9 : memref<1x160x64xi32, #tpu.memory_space<hbm>> -> memref<160x64xi32, #tpu.memory_space<hbm>>
      %dma_start3A_11 = arith.constant 0 : i32
      %dma_start3A_12 = arith.constant 0 : i32
      %dma_start3A_13 = tpu.memref_slice %arg3[%add3A, %dma_start3A_11, %dma_start3A_12] : memref<32x160x64xi32, #tpu.memory_space<hbm>> -> memref<1x160x64xi32, #tpu.memory_space<hbm>>
      %dma_start3A_14 = tpu.memref_squeeze %dma_start3A_13 : memref<1x160x64xi32, #tpu.memory_space<hbm>> -> memref<160x64xi32, #tpu.memory_space<hbm>>
      tpu.enqueue_dma source(%dma_start3A_14 : memref<160x64xi32, #tpu.memory_space<hbm>>) target(%arg5 : memref<160x64xi32, #tpu.memory_space<vmem>>) target_semaphore(%run_scoped3A : memref<!tpu.dma_semaphore, #tpu.memory_space<semaphore_mem>>)
      %dma_wait3A = arith.constant 0 : i32
      %dma_wait3A_15 = arith.constant 0 : i32
      %dma_wait3A_16 = tpu.memref_slice %arg3[%add3A, %dma_wait3A, %dma_wait3A_15] : memref<32x160x64xi32, #tpu.memory_space<hbm>> -> memref<1x160x64xi32, #tpu.memory_space<hbm>>
      %dma_wait3A_17 = tpu.memref_squeeze %dma_wait3A_16 : memref<1x160x64xi32, #tpu.memory_space<hbm>> -> memref<160x64xi32, #tpu.memory_space<hbm>>
      %dma_wait3A_18 = arith.constant 0 : i32
      %dma_wait3A_19 = arith.constant 0 : i32
      %dma_wait3A_20 = tpu.memref_slice %arg3[%add3A, %dma_wait3A_18, %dma_wait3A_19] : memref<32x160x64xi32, #tpu.memory_space<hbm>> -> memref<1x160x64xi32, #tpu.memory_space<hbm>>
      %dma_wait3A_21 = tpu.memref_squeeze %dma_wait3A_20 : memref<1x160x64xi32, #tpu.memory_space<hbm>> -> memref<160x64xi32, #tpu.memory_space<hbm>>
      tpu.wait_dma2 semaphore(%run_scoped3A : memref<!tpu.dma_semaphore, #tpu.memory_space<semaphore_mem>>) src(%dma_wait3A_21 : memref<160x64xi32, #tpu.memory_space<hbm>>) dst(%arg5 : memref<160x64xi32, #tpu.memory_space<vmem>>)
      tpu.yield
    }) : () -> ()
    %scan3A = arith.constant 0 : i32
    %scan3A_3 = arith.constant 0 : i32
    %scan3A_4 = arith.constant 80 : i32
    %scan3A_5 = arith.addi %scan3A_3, %scan3A_4 : i32
    %scan3A_6 = arith.constant 1 : i32
    scf.for %scan3A_8 = %scan3A_3 to %scan3A_5 step %scan3A_6  : i32 {
      %mul3A_9 = arith.constant 2 : i32
      %mul3A_10 = arith.muli %mul3A_9, %scan3A_8 : i32
      %dma_start3A = arith.constant 0 : i32
      %dma_start3A_11 = tpu.memref_slice %arg5[%mul3A_10, %dma_start3A] : memref<160x64xi32, #tpu.memory_space<vmem>> -> memref<1x64xi32, #tpu.memory_space<vmem>>
      %dma_start3A_12 = tpu.memref_squeeze %dma_start3A_11 : memref<1x64xi32, #tpu.memory_space<vmem>> -> memref<64xi32, #tpu.memory_space<vmem>>
      %dma_start3A_13 = arith.constant 0 : i32
      %dma_start3A_14 = arith.constant 0 : i32
      %dma_start3A_15 = tpu.memref_slice %arg2[%dma_start3A_13, %dma_start3A_14] : memref<10000x64xf32, #tpu.memory_space<hbm>> -> memref<10000x64xf32, #tpu.memory_space<hbm>>
      tpu.enqueue_indirect_dma source(%dma_start3A_15 : memref<10000x64xf32, #tpu.memory_space<hbm>>) target(%arg6 : memref<64x64xf32, #tpu.memory_space<vmem>>) offsets(%dma_start3A_12 : memref<64xi32, #tpu.memory_space<vmem>>) semaphore(%arg8 : memref<!tpu.dma_semaphore, #tpu.memory_space<semaphore_mem>>)
      %mul3A_16 = arith.constant 2 : i32
      %mul3A_17 = arith.muli %mul3A_16, %scan3A_8 : i32
      %add3A_18 = arith.constant 1 : i32
      %add3A_19 = arith.addi %mul3A_17, %add3A_18 : i32
      %dma_start3A_20 = arith.constant 0 : i32
      %dma_start3A_21 = tpu.memref_slice %arg5[%add3A_19, %dma_start3A_20] : memref<160x64xi32, #tpu.memory_space<vmem>> -> memref<1x64xi32, #tpu.memory_space<vmem>>
      %dma_start3A_22 = tpu.memref_squeeze %dma_start3A_21 : memref<1x64xi32, #tpu.memory_space<vmem>> -> memref<64xi32, #tpu.memory_space<vmem>>
      %dma_start3A_23 = arith.constant 0 : i32
      %dma_start3A_24 = arith.constant 0 : i32
      %dma_start3A_25 = tpu.memref_slice %arg2[%dma_start3A_23, %dma_start3A_24] : memref<10000x64xf32, #tpu.memory_space<hbm>> -> memref<10000x64xf32, #tpu.memory_space<hbm>>
      tpu.enqueue_indirect_dma source(%dma_start3A_25 : memref<10000x64xf32, #tpu.memory_space<hbm>>) target(%arg7 : memref<64x64xf32, #tpu.memory_space<vmem>>) offsets(%dma_start3A_22 : memref<64xi32, #tpu.memory_space<vmem>>) semaphore(%arg9 : memref<!tpu.dma_semaphore, #tpu.memory_space<semaphore_mem>>)
      %dma_wait3A = arith.constant 0 : i32
      %dma_wait3A_26 = tpu.memref_slice %arg5[%mul3A_10, %dma_wait3A] : memref<160x64xi32, #tpu.memory_space<vmem>> -> memref<1x64xi32, #tpu.memory_space<vmem>>
      %dma_wait3A_27 = tpu.memref_squeeze %dma_wait3A_26 : memref<1x64xi32, #tpu.memory_space<vmem>> -> memref<64xi32, #tpu.memory_space<vmem>>
      %dma_wait3A_28 = arith.constant 0 : i32
      %dma_wait3A_29 = arith.constant 0 : i32
      %dma_wait3A_30 = tpu.memref_slice %arg2[%dma_wait3A_28, %dma_wait3A_29] : memref<10000x64xf32, #tpu.memory_space<hbm>> -> memref<10000x64xf32, #tpu.memory_space<hbm>>
      tpu.wait_indirect_dma semaphore(%arg8 : memref<!tpu.dma_semaphore, #tpu.memory_space<semaphore_mem>>) src(%dma_wait3A_30 : memref<10000x64xf32, #tpu.memory_space<hbm>>) dst(%arg6 : memref<64x64xf32, #tpu.memory_space<vmem>>)
      %dma_wait3A_31 = arith.constant 0 : i32
      %dma_wait3A_32 = tpu.memref_slice %arg5[%add3A_19, %dma_wait3A_31] : memref<160x64xi32, #tpu.memory_space<vmem>> -> memref<1x64xi32, #tpu.memory_space<vmem>>
      %dma_wait3A_33 = tpu.memref_squeeze %dma_wait3A_32 : memref<1x64xi32, #tpu.memory_space<vmem>> -> memref<64xi32, #tpu.memory_space<vmem>>
      %dma_wait3A_34 = arith.constant 0 : i32
      %dma_wait3A_35 = arith.constant 0 : i32
      %dma_wait3A_36 = tpu.memref_slice %arg2[%dma_wait3A_34, %dma_wait3A_35] : memref<10000x64xf32, #tpu.memory_space<hbm>> -> memref<10000x64xf32, #tpu.memory_space<hbm>>
      tpu.wait_indirect_dma semaphore(%arg9 : memref<!tpu.dma_semaphore, #tpu.memory_space<semaphore_mem>>) src(%dma_wait3A_36 : memref<10000x64xf32, #tpu.memory_space<hbm>>) dst(%arg7 : memref<64x64xf32, #tpu.memory_space<vmem>>)
      %mul3A_37 = arith.constant 64 : i32
      %mul3A_38 = arith.muli %scan3A_8, %mul3A_37 : i32
      %add3A_39 = arith.addi %mul3A_2, %mul3A_38 : i32
      "tpu.region"() ({
        %run_scoped3A = tpu.sem_alloc : memref<!tpu.dma_semaphore, #tpu.memory_space<semaphore_mem>>
        %dma_start3A_40 = arith.constant 0 : i32
        %dma_start3A_41 = tpu.memref_slice %arg4[%add3A_39, %dma_start3A_40] : memref<163840x128xf32, #tpu.memory_space<hbm>> -> memref<64x64xf32, #tpu.memory_space<hbm>>
        %dma_start3A_42 = arith.constant 0 : i32
        %dma_start3A_43 = tpu.memref_slice %arg4[%add3A_39, %dma_start3A_42] : memref<163840x128xf32, #tpu.memory_space<hbm>> -> memref<64x64xf32, #tpu.memory_space<hbm>>
        tpu.enqueue_dma source(%arg6 : memref<64x64xf32, #tpu.memory_space<vmem>>) target(%dma_start3A_43 : memref<64x64xf32, #tpu.memory_space<hbm>>) target_semaphore(%run_scoped3A : memref<!tpu.dma_semaphore, #tpu.memory_space<semaphore_mem>>)
        %dma_wait3A_44 = arith.constant 0 : i32
        %dma_wait3A_45 = tpu.memref_slice %arg4[%add3A_39, %dma_wait3A_44] : memref<163840x128xf32, #tpu.memory_space<hbm>> -> memref<64x64xf32, #tpu.memory_space<hbm>>
        %dma_wait3A_46 = arith.constant 0 : i32
        %dma_wait3A_47 = tpu.memref_slice %arg4[%add3A_39, %dma_wait3A_46] : memref<163840x128xf32, #tpu.memory_space<hbm>> -> memref<64x64xf32, #tpu.memory_space<hbm>>
        tpu.wait_dma2 semaphore(%run_scoped3A : memref<!tpu.dma_semaphore, #tpu.memory_space<semaphore_mem>>) src(%arg6 : memref<64x64xf32, #tpu.memory_space<vmem>>) dst(%dma_wait3A_47 : memref<64x64xf32, #tpu.memory_space<hbm>>)
        tpu.yield
      }) : () -> ()
      "tpu.region"() ({
        %run_scoped3A = tpu.sem_alloc : memref<!tpu.dma_semaphore, #tpu.memory_space<semaphore_mem>>
        %dma_start3A_40 = arith.constant 64 : i32
        %dma_start3A_41 = tpu.memref_slice %arg4[%add3A_39, %dma_start3A_40] : memref<163840x128xf32, #tpu.memory_space<hbm>> -> memref<64x64xf32, #tpu.memory_space<hbm>>
        %dma_start3A_42 = arith.constant 64 : i32
        %dma_start3A_43 = tpu.memref_slice %arg4[%add3A_39, %dma_start3A_42] : memref<163840x128xf32, #tpu.memory_space<hbm>> -> memref<64x64xf32, #tpu.memory_space<hbm>>
        tpu.enqueue_dma source(%arg7 : memref<64x64xf32, #tpu.memory_space<vmem>>) target(%dma_start3A_43 : memref<64x64xf32, #tpu.memory_space<hbm>>) target_semaphore(%run_scoped3A : memref<!tpu.dma_semaphore, #tpu.memory_space<semaphore_mem>>)
        %dma_wait3A_44 = arith.constant 64 : i32
        %dma_wait3A_45 = tpu.memref_slice %arg4[%add3A_39, %dma_wait3A_44] : memref<163840x128xf32, #tpu.memory_space<hbm>> -> memref<64x64xf32, #tpu.memory_space<hbm>>
        %dma_wait3A_46 = arith.constant 64 : i32
        %dma_wait3A_47 = tpu.memref_slice %arg4[%add3A_39, %dma_wait3A_46] : memref<163840x128xf32, #tpu.memory_space<hbm>> -> memref<64x64xf32, #tpu.memory_space<hbm>>
        tpu.wait_dma2 semaphore(%run_scoped3A : memref<!tpu.dma_semaphore, #tpu.memory_space<semaphore_mem>>) src(%arg7 : memref<64x64xf32, #tpu.memory_space<vmem>>) dst(%dma_wait3A_47 : memref<64x64xf32, #tpu.memory_space<hbm>>)
        tpu.yield
      }) : () -> ()
    }
    %scan3A_7 = arith.constant 80 : i32
    return
  }
}

module attributes {stable_mosaic.version = 14 : i64} {
  func.func @_embed_body(%arg0: i32, %arg1: memref<1000x92xf32, #tpu.memory_space<vmem>>, %arg2: memref<92x64xf32, #tpu.memory_space<vmem>>, %arg3: memref<1x64xf32, #tpu.memory_space<vmem>>, %arg4: memref<64x128xf32, #tpu.memory_space<vmem>>, %arg5: memref<1x128xf32, #tpu.memory_space<vmem>>, %arg6: memref<1000x64xf32, #tpu.memory_space<vmem>>, %arg7: memref<1000x128xf32, #tpu.memory_space<vmem>>) attributes {dimension_semantics = [#tpu.dimension_semantics<arbitrary>], iteration_bounds = array<i64: 10>, scalar_prefetch = 0 : i64, scratch_operands = 0 : i64, tpu.core_type = #tpu.core_type<tc>, window_params = [{transform_indices = @transform_0, window_bounds = array<i64: 1000, 92>}, {pipeline_mode = #tpu.pipeline_mode<synchronous>, transform_indices = @transform_1, window_bounds = array<i64: 92, 64>}, {pipeline_mode = #tpu.pipeline_mode<synchronous>, transform_indices = @transform_2, window_bounds = array<i64: 1, 64>}, {pipeline_mode = #tpu.pipeline_mode<synchronous>, transform_indices = @transform_3, window_bounds = array<i64: 64, 128>}, {pipeline_mode = #tpu.pipeline_mode<synchronous>, transform_indices = @transform_4, window_bounds = array<i64: 1, 128>}, {transform_indices = @transform_5, window_bounds = array<i64: 1000, 64>}, {transform_indices = @transform_6, window_bounds = array<i64: 1000, 128>}]} {
    %get3A = arith.constant 0 : index
    %get3A_0 = arith.constant 0 : index
    %get3A_1 = vector.load %arg1[%get3A, %get3A_0] : memref<1000x92xf32, #tpu.memory_space<vmem>>, vector<1000x92xf32>
    %get3A_2 = arith.constant 0 : index
    %get3A_3 = arith.constant 0 : index
    %get3A_4 = vector.load %arg2[%get3A_2, %get3A_3] : memref<92x64xf32, #tpu.memory_space<vmem>>, vector<92x64xf32>
    %dot_general3A = arith.constant dense<0.000000e+00> : vector<1000x64xf32>
    %dot_general3A_5 = tpu.matmul %get3A_1, %get3A_4, %dot_general3A {dimension_numbers = #tpu.dot_dimension_numbers<[1], [0], [0], [1], [0, 0, 1, 1], [], []>, transpose_lhs_hint = false} : vector<1000x92xf32>, vector<92x64xf32>, vector<1000x64xf32> -> vector<1000x64xf32>
    %get3A_6 = arith.constant 0 : index
    %get3A_7 = arith.constant 0 : index
    %get3A_8 = vector.load %arg3[%get3A_6, %get3A_7] : memref<1x64xf32, #tpu.memory_space<vmem>>, vector<1x64xf32>
    %add3A = vector.broadcast %get3A_8 : vector<1x64xf32> to vector<1000x64xf32>
    %add3A_9 = arith.addf %dot_general3A_5, %add3A : vector<1000x64xf32>
    %swap3A = arith.constant 0 : index
    %swap3A_10 = arith.constant 0 : index
    %swap3A_11 = vector.load %arg6[%swap3A, %swap3A_10] : memref<1000x64xf32, #tpu.memory_space<vmem>>, vector<1000x64xf32>
    tpu.vector_store %arg6[%swap3A, %swap3A_10], %add3A_9 {strides = array<i32>} : memref<1000x64xf32, #tpu.memory_space<vmem>>, vector<1000x64xf32>,
    %get3A_12 = arith.constant 0 : index
    %get3A_13 = arith.constant 0 : index
    %get3A_14 = vector.load %arg4[%get3A_12, %get3A_13] : memref<64x128xf32, #tpu.memory_space<vmem>>, vector<64x128xf32>
    %dot_general3A_15 = arith.constant dense<0.000000e+00> : vector<1000x128xf32>
    %dot_general3A_16 = tpu.matmul %add3A_9, %get3A_14, %dot_general3A_15 {dimension_numbers = #tpu.dot_dimension_numbers<[1], [0], [0], [1], [0, 0, 1, 1], [], []>, transpose_lhs_hint = false} : vector<1000x64xf32>, vector<64x128xf32>, vector<1000x128xf32> -> vector<1000x128xf32>
    %get3A_17 = arith.constant 0 : index
    %get3A_18 = arith.constant 0 : index
    %get3A_19 = vector.load %arg5[%get3A_17, %get3A_18] : memref<1x128xf32, #tpu.memory_space<vmem>>, vector<1x128xf32>
    %add3A_20 = vector.broadcast %get3A_19 : vector<1x128xf32> to vector<1000x128xf32>
    %add3A_21 = arith.addf %dot_general3A_16, %add3A_20 : vector<1000x128xf32>
    %swap3A_22 = arith.constant 0 : index
    %swap3A_23 = arith.constant 0 : index
    %swap3A_24 = vector.load %arg7[%swap3A_22, %swap3A_23] : memref<1000x128xf32, #tpu.memory_space<vmem>>, vector<1000x128xf32>
    tpu.vector_store %arg7[%swap3A_22, %swap3A_23], %add3A_21 {strides = array<i32>} : memref<1000x128xf32, #tpu.memory_space<vmem>>, vector<1000x128xf32>,
    return
  }
  func.func @transform_0(%arg0: i32) -> (i32, i32) {
    %c0_i32 = arith.constant 0 : i32
    %c0_i32_0 = arith.constant 0 : i32
    return %arg0, %c0_i32 : i32, i32
  }
  func.func @transform_1(%arg0: i32) -> (i32, i32) {
    %c0_i32 = arith.constant 0 : i32
    %c0_i32_0 = arith.constant 0 : i32
    %c0_i32_1 = arith.constant 0 : i32
    return %c0_i32, %c0_i32_0 : i32, i32
  }
  func.func @transform_2(%arg0: i32) -> (i32, i32) {
    %c0_i32 = arith.constant 0 : i32
    %c0_i32_0 = arith.constant 0 : i32
    %c0_i32_1 = arith.constant 0 : i32
    return %c0_i32, %c0_i32_0 : i32, i32
  }
  func.func @transform_3(%arg0: i32) -> (i32, i32) {
    %c0_i32 = arith.constant 0 : i32
    %c0_i32_0 = arith.constant 0 : i32
    %c0_i32_1 = arith.constant 0 : i32
    return %c0_i32, %c0_i32_0 : i32, i32
  }
  func.func @transform_4(%arg0: i32) -> (i32, i32) {
    %c0_i32 = arith.constant 0 : i32
    %c0_i32_0 = arith.constant 0 : i32
    %c0_i32_1 = arith.constant 0 : i32
    return %c0_i32, %c0_i32_0 : i32, i32
  }
  func.func @transform_5(%arg0: i32) -> (i32, i32) {
    %c0_i32 = arith.constant 0 : i32
    %c0_i32_0 = arith.constant 0 : i32
    return %arg0, %c0_i32 : i32, i32
  }
  func.func @transform_6(%arg0: i32) -> (i32, i32) {
    %c0_i32 = arith.constant 0 : i32
    %c0_i32_0 = arith.constant 0 : i32
    return %arg0, %c0_i32 : i32, i32
  }
}

module attributes {stable_mosaic.version = 14 : i64} {
  func.func @_apply_body(%arg0: i32, %arg1: memref<3200x128xf32, #tpu.memory_space<vmem>>, %arg2: memref<3200x32xbf16, #tpu.memory_space<vmem>>, %arg3: memref<200x128xf32, #tpu.memory_space<vmem>>, %arg4: memref<64x128xf32, #tpu.memory_space<vmem>>, %arg5: memref<16x128xbf16, #tpu.memory_space<vmem>>, %arg6: memref<1x128xf32, #tpu.memory_space<vmem>>, %arg7: memref<1x128xf32, #tpu.memory_space<vmem>>, %arg8: memref<1x128xf32, #tpu.memory_space<vmem>>, %arg9: memref<1x128xf32, #tpu.memory_space<vmem>>, %arg10: memref<1x128xf32, #tpu.memory_space<vmem>>, %arg11: memref<200x64xf32, #tpu.memory_space<vmem>>, %arg12: memref<1x64xf32, #tpu.memory_space<vmem>>, %arg13: memref<1x64xf32, #tpu.memory_space<vmem>>, %arg14: memref<1x64xf32, #tpu.memory_space<vmem>>, %arg15: memref<2x128xf32, #tpu.memory_space<vmem>>, %arg16: memref<1x64xf32, #tpu.memory_space<vmem>>) attributes {dimension_semantics = [#tpu.dimension_semantics<arbitrary>], iteration_bounds = array<i64: 50>, scalar_prefetch = 0 : i64, scratch_operands = 2 : i64, tpu.core_type = #tpu.core_type<tc>, window_params = [{transform_indices = @transform_0, window_bounds = array<i64: 3200, 128>}, {transform_indices = @transform_1, window_bounds = array<i64: 3200, 32>}, {transform_indices = @transform_2, window_bounds = array<i64: 200, 128>}, {pipeline_mode = #tpu.pipeline_mode<synchronous>, transform_indices = @transform_3, window_bounds = array<i64: 64, 128>}, {pipeline_mode = #tpu.pipeline_mode<synchronous>, transform_indices = @transform_4, window_bounds = array<i64: 16, 128>}, {pipeline_mode = #tpu.pipeline_mode<synchronous>, transform_indices = @transform_5, window_bounds = array<i64: 1, 128>}, {pipeline_mode = #tpu.pipeline_mode<synchronous>, transform_indices = @transform_6, window_bounds = array<i64: 1, 128>}, {pipeline_mode = #tpu.pipeline_mode<synchronous>, transform_indices = @transform_7, window_bounds = array<i64: 1, 128>}, {pipeline_mode = #tpu.pipeline_mode<synchronous>, transform_indices = @transform_8, window_bounds = array<i64: 1, 128>}, {pipeline_mode = #tpu.pipeline_mode<synchronous>, transform_indices = @transform_9, window_bounds = array<i64: 1, 128>}, {transform_indices = @transform_10, window_bounds = array<i64: 200, 64>}, {pipeline_mode = #tpu.pipeline_mode<synchronous>, transform_indices = @transform_11, window_bounds = array<i64: 1, 64>}, {pipeline_mode = #tpu.pipeline_mode<synchronous>, transform_indices = @transform_12, window_bounds = array<i64: 1, 64>}, {pipeline_mode = #tpu.pipeline_mode<synchronous>, transform_indices = @transform_13, window_bounds = array<i64: 1, 64>}]} {
    %eq3A = arith.constant 0 : i32
    %eq3A_0 = arith.cmpi eq, %arg0, %eq3A : i32
    %convert_element_type3A = arith.extui %eq3A_0 : i1 to i32
    %cond3A = arith.constant 0 : i32
    %cond3A_1 = arith.cmpi ne, %convert_element_type3A, %cond3A : i32
    scf.if %cond3A_1 {
      %get3A_129 = arith.constant 0 : index
      %get3A_130 = arith.constant 0 : index
      %get3A_131 = vector.load %arg6[%get3A_129, %get3A_130] : memref<1x128xf32, #tpu.memory_space<vmem>>, vector<1x128xf32>
      %mul3A_132 = arith.constant 3.125000e-06 : f32
      %mul3A_133 = vector.broadcast %mul3A_132 : f32 to vector<1x128xf32>
      %mul3A_134 = arith.mulf %get3A_131, %mul3A_133 : vector<1x128xf32>
      %get3A_135 = arith.constant 0 : index
      %get3A_136 = arith.constant 0 : index
      %get3A_137 = vector.load %arg8[%get3A_135, %get3A_136] : memref<1x128xf32, #tpu.memory_space<vmem>>, vector<1x128xf32>
      %add3A_138 = arith.addf %get3A_137, %mul3A_134 : vector<1x128xf32>
      %get3A_139 = arith.constant 0 : index
      %get3A_140 = arith.constant 0 : index
      %get3A_141 = vector.load %arg7[%get3A_139, %get3A_140] : memref<1x128xf32, #tpu.memory_space<vmem>>, vector<1x128xf32>
      %mul3A_142 = arith.constant 3.125000e-06 : f32
      %mul3A_143 = vector.broadcast %mul3A_142 : f32 to vector<1x128xf32>
      %mul3A_144 = arith.mulf %get3A_141, %mul3A_143 : vector<1x128xf32>
      %mul3A_145 = arith.mulf %mul3A_134, %mul3A_134 : vector<1x128xf32>
      %sub3A_146 = arith.subf %mul3A_144, %mul3A_145 : vector<1x128xf32>
      %get3A_147 = arith.constant 0 : index
      %get3A_148 = arith.constant 0 : index
      %get3A_149 = vector.load %arg9[%get3A_147, %get3A_148] : memref<1x128xf32, #tpu.memory_space<vmem>>, vector<1x128xf32>
      %add3A_150 = arith.constant 9.99999974E-6 : f32
      %add3A_151 = vector.broadcast %add3A_150 : f32 to vector<1x128xf32>
      %add3A_152 = arith.addf %sub3A_146, %add3A_151 : vector<1x128xf32>
      %sqrt3A = math.sqrt %add3A_152 : vector<1x128xf32>
      %div3A = arith.divf %get3A_149, %sqrt3A : vector<1x128xf32>
      %swap3A_153 = arith.constant 0 : index
      %swap3A_154 = arith.constant 0 : index
      %swap3A_155 = vector.load %arg15[%swap3A_153, %swap3A_154] : memref<2x128xf32, #tpu.memory_space<vmem>>, vector<1x128xf32>
      tpu.vector_store %arg15[%swap3A_153, %swap3A_154], %div3A {strides = array<i32>} : memref<2x128xf32, #tpu.memory_space<vmem>>, vector<1x128xf32>,
      %get3A_156 = arith.constant 0 : index
      %get3A_157 = arith.constant 0 : index
      %get3A_158 = vector.load %arg10[%get3A_156, %get3A_157] : memref<1x128xf32, #tpu.memory_space<vmem>>, vector<1x128xf32>
      %mul3A_159 = arith.mulf %add3A_138, %div3A : vector<1x128xf32>
      %sub3A_160 = arith.subf %get3A_158, %mul3A_159 : vector<1x128xf32>
      %swap3A_161 = arith.constant 1 : index
      %swap3A_162 = arith.constant 0 : index
      %swap3A_163 = vector.load %arg15[%swap3A_161, %swap3A_162] : memref<2x128xf32, #tpu.memory_space<vmem>>, vector<1x128xf32>
      tpu.vector_store %arg15[%swap3A_161, %swap3A_162], %sub3A_160 {strides = array<i32>} : memref<2x128xf32, #tpu.memory_space<vmem>>, vector<1x128xf32>,
    } else {
    }
    %get3A = arith.constant 0 : index
    %get3A_2 = arith.constant 0 : index
    %get3A_3 = vector.load %arg1[%get3A, %get3A_2] : memref<3200x128xf32, #tpu.memory_space<vmem>>, vector<3200x128xf32>
    %get3A_4 = arith.constant 0 : index
    %get3A_5 = arith.constant 0 : index
    %get3A_6 = vector.load %arg2[%get3A_4, %get3A_5] : memref<3200x32xbf16, #tpu.memory_space<vmem>>, vector<3200x32xbf16>
    %slice3A = vector.extract_strided_slice %get3A_3 {offsets = [0, 0], sizes = [3200, 64], strides = [1, 1]} : vector<3200x128xf32> to vector<3200x64xf32>
    %get3A_7 = arith.constant 0 : index
    %get3A_8 = arith.constant 0 : index
    %get3A_9 = vector.load %arg4[%get3A_7, %get3A_8] : memref<64x128xf32, #tpu.memory_space<vmem>>, vector<64x128xf32>
    %dot_general3A = arith.constant dense<0.000000e+00> : vector<3200x128xf32>
    %dot_general3A_10 = tpu.matmul %slice3A, %get3A_9, %dot_general3A {dimension_numbers = #tpu.dot_dimension_numbers<[1], [0], [0], [1], [0, 0, 1, 1], [], []>, transpose_lhs_hint = false} : vector<3200x64xf32>, vector<64x128xf32>, vector<3200x128xf32> -> vector<3200x128xf32>
    %slice3A_11 = vector.extract_strided_slice %get3A_6 {offsets = [0, 0], sizes = [3200, 16], strides = [1, 1]} : vector<3200x32xbf16> to vector<3200x16xbf16>
    %get3A_12 = arith.constant 0 : index
    %get3A_13 = arith.constant 0 : index
    %get3A_14 = vector.load %arg5[%get3A_12, %get3A_13] : memref<16x128xbf16, #tpu.memory_space<vmem>>, vector<16x128xbf16>
    %dot_general3A_15 = arith.constant dense<0.000000e+00> : vector<3200x128xf32>
    %dot_general3A_16 = tpu.matmul %slice3A_11, %get3A_14, %dot_general3A_15 {dimension_numbers = #tpu.dot_dimension_numbers<[1], [0], [0], [1], [0, 0, 1, 1], [], []>, transpose_lhs_hint = false} : vector<3200x16xbf16>, vector<16x128xbf16>, vector<3200x128xf32> -> vector<3200x128xf32>
    %add3A = arith.addf %dot_general3A_10, %dot_general3A_16 : vector<3200x128xf32>
    %slice3A_17 = vector.extract_strided_slice %get3A_3 {offsets = [0, 64], sizes = [3200, 64], strides = [1, 1]} : vector<3200x128xf32> to vector<3200x64xf32>
    %get3A_18 = arith.constant 0 : index
    %get3A_19 = arith.constant 0 : index
    %get3A_20 = vector.load %arg4[%get3A_18, %get3A_19] : memref<64x128xf32, #tpu.memory_space<vmem>>, vector<64x128xf32>
    %dot_general3A_21 = arith.constant dense<0.000000e+00> : vector<3200x128xf32>
    %dot_general3A_22 = tpu.matmul %slice3A_17, %get3A_20, %dot_general3A_21 {dimension_numbers = #tpu.dot_dimension_numbers<[1], [0], [0], [1], [0, 0, 1, 1], [], []>, transpose_lhs_hint = false} : vector<3200x64xf32>, vector<64x128xf32>, vector<3200x128xf32> -> vector<3200x128xf32>
    %slice3A_23 = vector.extract_strided_slice %get3A_6 {offsets = [0, 16], sizes = [3200, 16], strides = [1, 1]} : vector<3200x32xbf16> to vector<3200x16xbf16>
    %get3A_24 = arith.constant 0 : index
    %get3A_25 = arith.constant 0 : index
    %get3A_26 = vector.load %arg5[%get3A_24, %get3A_25] : memref<16x128xbf16, #tpu.memory_space<vmem>>, vector<16x128xbf16>
    %dot_general3A_27 = arith.constant dense<0.000000e+00> : vector<3200x128xf32>
    %dot_general3A_28 = tpu.matmul %slice3A_23, %get3A_26, %dot_general3A_27 {dimension_numbers = #tpu.dot_dimension_numbers<[1], [0], [0], [1], [0, 0, 1, 1], [], []>, transpose_lhs_hint = false} : vector<3200x16xbf16>, vector<16x128xbf16>, vector<3200x128xf32> -> vector<3200x128xf32>
    %add3A_29 = arith.addf %dot_general3A_22, %dot_general3A_28 : vector<3200x128xf32>
    %get3A_30 = arith.constant 0 : index
    %get3A_31 = arith.constant 0 : index
    %get3A_32 = vector.load %arg15[%get3A_30, %get3A_31] : memref<2x128xf32, #tpu.memory_space<vmem>>, vector<1x128xf32>
    %get3A_33 = arith.constant 1 : index
    %get3A_34 = arith.constant 0 : index
    %get3A_35 = vector.load %arg15[%get3A_33, %get3A_34] : memref<2x128xf32, #tpu.memory_space<vmem>>, vector<1x128xf32>
    %get3A_36 = arith.constant 0 : index
    %get3A_37 = arith.constant 0 : index
    %get3A_38 = vector.load %arg3[%get3A_36, %get3A_37] : memref<200x128xf32, #tpu.memory_space<vmem>>, vector<200x128xf32>
    %mul3A = vector.broadcast %get3A_32 : vector<1x128xf32> to vector<200x128xf32>
    %mul3A_39 = arith.mulf %get3A_38, %mul3A : vector<200x128xf32>
    %add3A_40 = vector.broadcast %get3A_35 : vector<1x128xf32> to vector<200x128xf32>
    %add3A_41 = arith.addf %mul3A_39, %add3A_40 : vector<200x128xf32>
    %broadcast_in_dim3A = vector.shape_cast %add3A_41 : vector<200x128xf32> to vector<200x1x128xf32>
    %broadcast_in_dim3A_42 = vector.shape_cast %broadcast_in_dim3A : vector<200x1x128xf32> to vector<200x1x128xf32>
    %broadcast_in_dim3A_43 = vector.broadcast %broadcast_in_dim3A_42 : vector<200x1x128xf32> to vector<200x16x128xf32>
    %reshape3A = vector.shape_cast %broadcast_in_dim3A_43 : vector<200x16x128xf32> to vector<3200x128xf32>
    %mul3A_44 = vector.broadcast %get3A_32 : vector<1x128xf32> to vector<3200x128xf32>
    %mul3A_45 = arith.mulf %add3A, %mul3A_44 : vector<3200x128xf32>
    %add3A_46 = arith.addf %mul3A_45, %reshape3A : vector<3200x128xf32>
    %mul3A_47 = vector.broadcast %get3A_32 : vector<1x128xf32> to vector<3200x128xf32>
    %mul3A_48 = arith.mulf %add3A_29, %mul3A_47 : vector<3200x128xf32>
    %add3A_49 = arith.addf %mul3A_48, %reshape3A : vector<3200x128xf32>
    %slice3A_50 = vector.extract_strided_slice %add3A_46 {offsets = [0, 0], sizes = [3200, 64], strides = [1, 1]} : vector<3200x128xf32> to vector<3200x64xf32>
    %logistic3A = arith.negf %slice3A_50 : vector<3200x64xf32>
    %logistic3A_51 = math.exp %logistic3A : vector<3200x64xf32>
    %logistic3A_52 = arith.constant 1.000000e+00 : f32
    %logistic3A_53 = vector.broadcast %logistic3A_52 : f32 to vector<3200x64xf32>
    %logistic3A_54 = arith.addf %logistic3A_53, %logistic3A_51 : vector<3200x64xf32>
    %logistic3A_55 = arith.divf %logistic3A_53, %logistic3A_54 : vector<3200x64xf32>
    %slice3A_56 = vector.extract_strided_slice %add3A_46 {offsets = [0, 64], sizes = [3200, 64], strides = [1, 1]} : vector<3200x128xf32> to vector<3200x64xf32>
    %custom_jvp_call3A = arith.constant 0.000000e+00 : f32
    %max3A = vector.broadcast %custom_jvp_call3A : f32 to vector<3200x64xf32>
    %max3A_57 = arith.maximumf %slice3A_56, %max3A : vector<3200x64xf32>
    %sub3A = vector.broadcast %custom_jvp_call3A : f32 to vector<3200x64xf32>
    %sub3A_58 = arith.subf %slice3A_56, %sub3A : vector<3200x64xf32>
    %ne3A = arith.cmpf one, %sub3A_58, %sub3A_58 : vector<3200x64xf32>
    %add3A_59 = vector.broadcast %custom_jvp_call3A : f32 to vector<3200x64xf32>
    %add3A_60 = arith.addf %slice3A_56, %add3A_59 : vector<3200x64xf32>
    %abs3A = math.absf %sub3A_58 : vector<3200x64xf32>
    %neg3A = arith.constant 0.000000e+00 : f32
    %neg3A_61 = vector.broadcast %neg3A : f32 to vector<3200x64xf32>
    %neg3A_62 = arith.subf %neg3A_61, %abs3A : vector<3200x64xf32>
    %exp3A = math.exp %neg3A_62 : vector<3200x64xf32>
    %log1p3A = math.log1p %exp3A : vector<3200x64xf32>
    %add3A_63 = arith.addf %max3A_57, %log1p3A : vector<3200x64xf32>
    %select_n3A = arith.select %ne3A, %add3A_60, %add3A_63 : vector<3200x64xi1>, vector<3200x64xf32>
    %mul3A_64 = arith.mulf %logistic3A_55, %select_n3A : vector<3200x64xf32>
    %slice3A_65 = vector.extract_strided_slice %add3A_49 {offsets = [0, 0], sizes = [3200, 64], strides = [1, 1]} : vector<3200x128xf32> to vector<3200x64xf32>
    %logistic3A_66 = arith.negf %slice3A_65 : vector<3200x64xf32>
    %logistic3A_67 = math.exp %logistic3A_66 : vector<3200x64xf32>
    %logistic3A_68 = arith.constant 1.000000e+00 : f32
    %logistic3A_69 = vector.broadcast %logistic3A_68 : f32 to vector<3200x64xf32>
    %logistic3A_70 = arith.addf %logistic3A_69, %logistic3A_67 : vector<3200x64xf32>
    %logistic3A_71 = arith.divf %logistic3A_69, %logistic3A_70 : vector<3200x64xf32>
    %slice3A_72 = vector.extract_strided_slice %add3A_49 {offsets = [0, 64], sizes = [3200, 64], strides = [1, 1]} : vector<3200x128xf32> to vector<3200x64xf32>
    %custom_jvp_call3A_73 = arith.constant 0.000000e+00 : f32
    %max3A_74 = vector.broadcast %custom_jvp_call3A_73 : f32 to vector<3200x64xf32>
    %max3A_75 = arith.maximumf %slice3A_72, %max3A_74 : vector<3200x64xf32>
    %sub3A_76 = vector.broadcast %custom_jvp_call3A_73 : f32 to vector<3200x64xf32>
    %sub3A_77 = arith.subf %slice3A_72, %sub3A_76 : vector<3200x64xf32>
    %ne3A_78 = arith.cmpf one, %sub3A_77, %sub3A_77 : vector<3200x64xf32>
    %add3A_79 = vector.broadcast %custom_jvp_call3A_73 : f32 to vector<3200x64xf32>
    %add3A_80 = arith.addf %slice3A_72, %add3A_79 : vector<3200x64xf32>
    %abs3A_81 = math.absf %sub3A_77 : vector<3200x64xf32>
    %neg3A_82 = arith.constant 0.000000e+00 : f32
    %neg3A_83 = vector.broadcast %neg3A_82 : f32 to vector<3200x64xf32>
    %neg3A_84 = arith.subf %neg3A_83, %abs3A_81 : vector<3200x64xf32>
    %exp3A_85 = math.exp %neg3A_84 : vector<3200x64xf32>
    %log1p3A_86 = math.log1p %exp3A_85 : vector<3200x64xf32>
    %add3A_87 = arith.addf %max3A_75, %log1p3A_86 : vector<3200x64xf32>
    %select_n3A_88 = arith.select %ne3A_78, %add3A_80, %add3A_87 : vector<3200x64xi1>, vector<3200x64xf32>
    %mul3A_89 = arith.mulf %logistic3A_71, %select_n3A_88 : vector<3200x64xf32>
    %reshape3A_90 = vector.shape_cast %mul3A_64 : vector<3200x64xf32> to vector<200x16x64xf32>
    %reduce_sum3A = arith.constant dense<0.000000e+00> : vector<200x64xf32>
    %reduce_sum3A_91 = vector.multi_reduction <add>, %reshape3A_90, %reduce_sum3A [1] : vector<200x16x64xf32> to vector<200x64xf32>
    %reshape3A_92 = vector.shape_cast %mul3A_89 : vector<3200x64xf32> to vector<200x16x64xf32>
    %reduce_sum3A_93 = arith.constant dense<0.000000e+00> : vector<200x64xf32>
    %reduce_sum3A_94 = vector.multi_reduction <add>, %reshape3A_92, %reduce_sum3A_93 [1] : vector<200x16x64xf32> to vector<200x64xf32>
    %add3A_95 = arith.addf %reduce_sum3A_91, %reduce_sum3A_94 : vector<200x64xf32>
    %swap3A = arith.constant 0 : index
    %swap3A_96 = arith.constant 0 : index
    %swap3A_97 = vector.load %arg11[%swap3A, %swap3A_96] : memref<200x64xf32, #tpu.memory_space<vmem>>, vector<200x64xf32>
    tpu.vector_store %arg11[%swap3A, %swap3A_96], %add3A_95 {strides = array<i32>} : memref<200x64xf32, #tpu.memory_space<vmem>>, vector<200x64xf32>,
    %eq3A_98 = arith.constant 0 : i32
    %eq3A_99 = arith.cmpi eq, %arg0, %eq3A_98 : i32
    %convert_element_type3A_100 = arith.extui %eq3A_99 : i1 to i32
    %cond3A_101 = arith.constant 0 : i32
    %cond3A_102 = arith.cmpi ne, %convert_element_type3A_100, %cond3A_101 : i32
    scf.if %cond3A_102 {
      %reduce_sum3A_129 = arith.constant dense<0.000000e+00> : vector<64xf32>
      %reduce_sum3A_130 = vector.multi_reduction <add>, %add3A_95, %reduce_sum3A_129 [0] : vector<200x64xf32> to vector<64xf32>
      %broadcast_in_dim3A_131 = vector.shape_cast %reduce_sum3A_130 : vector<64xf32> to vector<1x64xf32>
      %mul3A_132 = arith.constant 5.000000e-03 : f32
      %mul3A_133 = vector.broadcast %mul3A_132 : f32 to vector<1x64xf32>
      %mul3A_134 = arith.mulf %broadcast_in_dim3A_131, %mul3A_133 : vector<1x64xf32>
      %swap3A_135 = arith.constant 0 : index
      %swap3A_136 = arith.constant 0 : index
      %swap3A_137 = vector.load %arg16[%swap3A_135, %swap3A_136] : memref<1x64xf32, #tpu.memory_space<vmem>>, vector<1x64xf32>
      tpu.vector_store %arg16[%swap3A_135, %swap3A_136], %mul3A_134 {strides = array<i32>} : memref<1x64xf32, #tpu.memory_space<vmem>>, vector<1x64xf32>,
      %swap3A_138 = arith.constant 0 : index
      %swap3A_139 = arith.constant 0 : index
      %swap3A_140 = vector.load %arg14[%swap3A_138, %swap3A_139] : memref<1x64xf32, #tpu.memory_space<vmem>>, vector<1x64xf32>
      tpu.vector_store %arg14[%swap3A_138, %swap3A_139], %mul3A_134 {strides = array<i32>} : memref<1x64xf32, #tpu.memory_space<vmem>>, vector<1x64xf32>,
      %broadcast_in_dim3A_141 = arith.constant 0.000000e+00 : f32
      %broadcast_in_dim3A_142 = vector.broadcast %broadcast_in_dim3A_141 : f32 to vector<1x64xf32>
      %swap3A_143 = arith.constant 0 : index
      %swap3A_144 = arith.constant 0 : index
      %swap3A_145 = vector.load %arg12[%swap3A_143, %swap3A_144] : memref<1x64xf32, #tpu.memory_space<vmem>>, vector<1x64xf32>
      tpu.vector_store %arg12[%swap3A_143, %swap3A_144], %broadcast_in_dim3A_142 {strides = array<i32>} : memref<1x64xf32, #tpu.memory_space<vmem>>, vector<1x64xf32>,
      %broadcast_in_dim3A_146 = arith.constant 0.000000e+00 : f32
      %broadcast_in_dim3A_147 = vector.broadcast %broadcast_in_dim3A_146 : f32 to vector<1x64xf32>
      %swap3A_148 = arith.constant 0 : index
      %swap3A_149 = arith.constant 0 : index
      %swap3A_150 = vector.load %arg13[%swap3A_148, %swap3A_149] : memref<1x64xf32, #tpu.memory_space<vmem>>, vector<1x64xf32>
      tpu.vector_store %arg13[%swap3A_148, %swap3A_149], %broadcast_in_dim3A_147 {strides = array<i32>} : memref<1x64xf32, #tpu.memory_space<vmem>>, vector<1x64xf32>,
    } else {
    }
    %get3A_103 = arith.constant 0 : index
    %get3A_104 = arith.constant 0 : index
    %get3A_105 = vector.load %arg16[%get3A_103, %get3A_104] : memref<1x64xf32, #tpu.memory_space<vmem>>, vector<1x64xf32>
    %sub3A_106 = vector.broadcast %get3A_105 : vector<1x64xf32> to vector<200x64xf32>
    %sub3A_107 = arith.subf %add3A_95, %sub3A_106 : vector<200x64xf32>
    %get3A_108 = arith.constant 0 : index
    %get3A_109 = arith.constant 0 : index
    %get3A_110 = vector.load %arg12[%get3A_108, %get3A_109] : memref<1x64xf32, #tpu.memory_space<vmem>>, vector<1x64xf32>
    %reduce_sum3A_111 = arith.constant dense<0.000000e+00> : vector<64xf32>
    %reduce_sum3A_112 = vector.multi_reduction <add>, %sub3A_107, %reduce_sum3A_111 [0] : vector<200x64xf32> to vector<64xf32>
    %broadcast_in_dim3A_113 = vector.shape_cast %reduce_sum3A_112 : vector<64xf32> to vector<1x64xf32>
    %add3A_114 = arith.addf %get3A_110, %broadcast_in_dim3A_113 : vector<1x64xf32>
    %swap3A_115 = arith.constant 0 : index
    %swap3A_116 = arith.constant 0 : index
    %swap3A_117 = vector.load %arg12[%swap3A_115, %swap3A_116] : memref<1x64xf32, #tpu.memory_space<vmem>>, vector<1x64xf32>
    tpu.vector_store %arg12[%swap3A_115, %swap3A_116], %add3A_114 {strides = array<i32>} : memref<1x64xf32, #tpu.memory_space<vmem>>, vector<1x64xf32>,
    %get3A_118 = arith.constant 0 : index
    %get3A_119 = arith.constant 0 : index
    %get3A_120 = vector.load %arg13[%get3A_118, %get3A_119] : memref<1x64xf32, #tpu.memory_space<vmem>>, vector<1x64xf32>
    %mul3A_121 = arith.mulf %sub3A_107, %sub3A_107 : vector<200x64xf32>
    %reduce_sum3A_122 = arith.constant dense<0.000000e+00> : vector<64xf32>
    %reduce_sum3A_123 = vector.multi_reduction <add>, %mul3A_121, %reduce_sum3A_122 [0] : vector<200x64xf32> to vector<64xf32>
    %broadcast_in_dim3A_124 = vector.shape_cast %reduce_sum3A_123 : vector<64xf32> to vector<1x64xf32>
    %add3A_125 = arith.addf %get3A_120, %broadcast_in_dim3A_124 : vector<1x64xf32>
    %swap3A_126 = arith.constant 0 : index
    %swap3A_127 = arith.constant 0 : index
    %swap3A_128 = vector.load %arg13[%swap3A_126, %swap3A_127] : memref<1x64xf32, #tpu.memory_space<vmem>>, vector<1x64xf32>
    tpu.vector_store %arg13[%swap3A_126, %swap3A_127], %add3A_125 {strides = array<i32>} : memref<1x64xf32, #tpu.memory_space<vmem>>, vector<1x64xf32>,
    return
  }
  func.func @transform_0(%arg0: i32) -> (i32, i32) {
    %c0_i32 = arith.constant 0 : i32
    %c0_i32_0 = arith.constant 0 : i32
    return %arg0, %c0_i32 : i32, i32
  }
  func.func @transform_1(%arg0: i32) -> (i32, i32) {
    %c0_i32 = arith.constant 0 : i32
    %c0_i32_0 = arith.constant 0 : i32
    return %arg0, %c0_i32 : i32, i32
  }
  func.func @transform_2(%arg0: i32) -> (i32, i32) {
    %c0_i32 = arith.constant 0 : i32
    %c0_i32_0 = arith.constant 0 : i32
    return %arg0, %c0_i32 : i32, i32
  }
  func.func @transform_3(%arg0: i32) -> (i32, i32) {
    %c0_i32 = arith.constant 0 : i32
    %c0_i32_0 = arith.constant 0 : i32
    %c0_i32_1 = arith.constant 0 : i32
    return %c0_i32, %c0_i32_0 : i32, i32
  }
  func.func @transform_4(%arg0: i32) -> (i32, i32) {
    %c0_i32 = arith.constant 0 : i32
    %c0_i32_0 = arith.constant 0 : i32
    %c0_i32_1 = arith.constant 0 : i32
    return %c0_i32, %c0_i32_0 : i32, i32
  }
  func.func @transform_5(%arg0: i32) -> (i32, i32) {
    %c0_i32 = arith.constant 0 : i32
    %c0_i32_0 = arith.constant 0 : i32
    %c0_i32_1 = arith.constant 0 : i32
    return %c0_i32, %c0_i32_0 : i32, i32
  }
  func.func @transform_6(%arg0: i32) -> (i32, i32) {
    %c0_i32 = arith.constant 0 : i32
    %c0_i32_0 = arith.constant 0 : i32
    %c0_i32_1 = arith.constant 0 : i32
    return %c0_i32, %c0_i32_0 : i32, i32
  }
  func.func @transform_7(%arg0: i32) -> (i32, i32) {
    %c0_i32 = arith.constant 0 : i32
    %c0_i32_0 = arith.constant 0 : i32
    %c0_i32_1 = arith.constant 0 : i32
    return %c0_i32, %c0_i32_0 : i32, i32
  }
  func.func @transform_8(%arg0: i32) -> (i32, i32) {
    %c0_i32 = arith.constant 0 : i32
    %c0_i32_0 = arith.constant 0 : i32
    %c0_i32_1 = arith.constant 0 : i32
    return %c0_i32, %c0_i32_0 : i32, i32
  }
  func.func @transform_9(%arg0: i32) -> (i32, i32) {
    %c0_i32 = arith.constant 0 : i32
    %c0_i32_0 = arith.constant 0 : i32
    %c0_i32_1 = arith.constant 0 : i32
    return %c0_i32, %c0_i32_0 : i32, i32
  }
  func.func @transform_10(%arg0: i32) -> (i32, i32) {
    %c0_i32 = arith.constant 0 : i32
    %c0_i32_0 = arith.constant 0 : i32
    return %arg0, %c0_i32 : i32, i32
  }
  func.func @transform_11(%arg0: i32) -> (i32, i32) {
    %c0_i32 = arith.constant 0 : i32
    %c0_i32_0 = arith.constant 0 : i32
    %c0_i32_1 = arith.constant 0 : i32
    return %c0_i32, %c0_i32_0 : i32, i32
  }
  func.func @transform_12(%arg0: i32) -> (i32, i32) {
    %c0_i32 = arith.constant 0 : i32
    %c0_i32_0 = arith.constant 0 : i32
    %c0_i32_1 = arith.constant 0 : i32
    return %c0_i32, %c0_i32_0 : i32, i32
  }
  func.func @transform_13(%arg0: i32) -> (i32, i32) {
    %c0_i32 = arith.constant 0 : i32
    %c0_i32_0 = arith.constant 0 : i32
    %c0_i32_1 = arith.constant 0 : i32
    return %c0_i32, %c0_i32_0 : i32, i32
  }
}

module attributes {stable_mosaic.version = 14 : i64} {
  func.func @_stats_body(%arg0: i32, %arg1: memref<3200x128xf32, #tpu.memory_space<vmem>>, %arg2: memref<3200x32xbf16, #tpu.memory_space<vmem>>, %arg3: memref<200x128xf32, #tpu.memory_space<vmem>>, %arg4: memref<64x128xf32, #tpu.memory_space<vmem>>, %arg5: memref<16x128xbf16, #tpu.memory_space<vmem>>, %arg6: memref<1x128xf32, #tpu.memory_space<vmem>>, %arg7: memref<1x128xf32, #tpu.memory_space<vmem>>, %arg8: memref<1x128xf32, #tpu.memory_space<vmem>>, %arg9: memref<1x128xf32, #tpu.memory_space<vmem>>) attributes {dimension_semantics = [#tpu.dimension_semantics<arbitrary>], iteration_bounds = array<i64: 50>, scalar_prefetch = 0 : i64, scratch_operands = 1 : i64, tpu.core_type = #tpu.core_type<tc>, window_params = [{transform_indices = @transform_0, window_bounds = array<i64: 3200, 128>}, {transform_indices = @transform_1, window_bounds = array<i64: 3200, 32>}, {transform_indices = @transform_2, window_bounds = array<i64: 200, 128>}, {pipeline_mode = #tpu.pipeline_mode<synchronous>, transform_indices = @transform_3, window_bounds = array<i64: 64, 128>}, {pipeline_mode = #tpu.pipeline_mode<synchronous>, transform_indices = @transform_4, window_bounds = array<i64: 16, 128>}, {pipeline_mode = #tpu.pipeline_mode<synchronous>, transform_indices = @transform_5, window_bounds = array<i64: 1, 128>}, {pipeline_mode = #tpu.pipeline_mode<synchronous>, transform_indices = @transform_6, window_bounds = array<i64: 1, 128>}, {pipeline_mode = #tpu.pipeline_mode<synchronous>, transform_indices = @transform_7, window_bounds = array<i64: 1, 128>}]} {
    %get3A = arith.constant 0 : index
    %get3A_0 = arith.constant 0 : index
    %get3A_1 = vector.load %arg1[%get3A, %get3A_0] : memref<3200x128xf32, #tpu.memory_space<vmem>>, vector<3200x128xf32>
    %get3A_2 = arith.constant 0 : index
    %get3A_3 = arith.constant 0 : index
    %get3A_4 = vector.load %arg2[%get3A_2, %get3A_3] : memref<3200x32xbf16, #tpu.memory_space<vmem>>, vector<3200x32xbf16>
    %slice3A = vector.extract_strided_slice %get3A_1 {offsets = [0, 0], sizes = [3200, 64], strides = [1, 1]} : vector<3200x128xf32> to vector<3200x64xf32>
    %get3A_5 = arith.constant 0 : index
    %get3A_6 = arith.constant 0 : index
    %get3A_7 = vector.load %arg4[%get3A_5, %get3A_6] : memref<64x128xf32, #tpu.memory_space<vmem>>, vector<64x128xf32>
    %dot_general3A = arith.constant dense<0.000000e+00> : vector<3200x128xf32>
    %dot_general3A_8 = tpu.matmul %slice3A, %get3A_7, %dot_general3A {dimension_numbers = #tpu.dot_dimension_numbers<[1], [0], [0], [1], [0, 0, 1, 1], [], []>, transpose_lhs_hint = false} : vector<3200x64xf32>, vector<64x128xf32>, vector<3200x128xf32> -> vector<3200x128xf32>
    %slice3A_9 = vector.extract_strided_slice %get3A_4 {offsets = [0, 0], sizes = [3200, 16], strides = [1, 1]} : vector<3200x32xbf16> to vector<3200x16xbf16>
    %get3A_10 = arith.constant 0 : index
    %get3A_11 = arith.constant 0 : index
    %get3A_12 = vector.load %arg5[%get3A_10, %get3A_11] : memref<16x128xbf16, #tpu.memory_space<vmem>>, vector<16x128xbf16>
    %dot_general3A_13 = arith.constant dense<0.000000e+00> : vector<3200x128xf32>
    %dot_general3A_14 = tpu.matmul %slice3A_9, %get3A_12, %dot_general3A_13 {dimension_numbers = #tpu.dot_dimension_numbers<[1], [0], [0], [1], [0, 0, 1, 1], [], []>, transpose_lhs_hint = false} : vector<3200x16xbf16>, vector<16x128xbf16>, vector<3200x128xf32> -> vector<3200x128xf32>
    %add3A = arith.addf %dot_general3A_8, %dot_general3A_14 : vector<3200x128xf32>
    %slice3A_15 = vector.extract_strided_slice %get3A_1 {offsets = [0, 64], sizes = [3200, 64], strides = [1, 1]} : vector<3200x128xf32> to vector<3200x64xf32>
    %get3A_16 = arith.constant 0 : index
    %get3A_17 = arith.constant 0 : index
    %get3A_18 = vector.load %arg4[%get3A_16, %get3A_17] : memref<64x128xf32, #tpu.memory_space<vmem>>, vector<64x128xf32>
    %dot_general3A_19 = arith.constant dense<0.000000e+00> : vector<3200x128xf32>
    %dot_general3A_20 = tpu.matmul %slice3A_15, %get3A_18, %dot_general3A_19 {dimension_numbers = #tpu.dot_dimension_numbers<[1], [0], [0], [1], [0, 0, 1, 1], [], []>, transpose_lhs_hint = false} : vector<3200x64xf32>, vector<64x128xf32>, vector<3200x128xf32> -> vector<3200x128xf32>
    %slice3A_21 = vector.extract_strided_slice %get3A_4 {offsets = [0, 16], sizes = [3200, 16], strides = [1, 1]} : vector<3200x32xbf16> to vector<3200x16xbf16>
    %get3A_22 = arith.constant 0 : index
    %get3A_23 = arith.constant 0 : index
    %get3A_24 = vector.load %arg5[%get3A_22, %get3A_23] : memref<16x128xbf16, #tpu.memory_space<vmem>>, vector<16x128xbf16>
    %dot_general3A_25 = arith.constant dense<0.000000e+00> : vector<3200x128xf32>
    %dot_general3A_26 = tpu.matmul %slice3A_21, %get3A_24, %dot_general3A_25 {dimension_numbers = #tpu.dot_dimension_numbers<[1], [0], [0], [1], [0, 0, 1, 1], [], []>, transpose_lhs_hint = false} : vector<3200x16xbf16>, vector<16x128xbf16>, vector<3200x128xf32> -> vector<3200x128xf32>
    %add3A_27 = arith.addf %dot_general3A_20, %dot_general3A_26 : vector<3200x128xf32>
    %get3A_28 = arith.constant 0 : index
    %get3A_29 = arith.constant 0 : index
    %get3A_30 = vector.load %arg3[%get3A_28, %get3A_29] : memref<200x128xf32, #tpu.memory_space<vmem>>, vector<200x128xf32>
    %broadcast_in_dim3A = vector.shape_cast %get3A_30 : vector<200x128xf32> to vector<200x1x128xf32>
    %broadcast_in_dim3A_31 = vector.shape_cast %broadcast_in_dim3A : vector<200x1x128xf32> to vector<200x1x128xf32>
    %broadcast_in_dim3A_32 = vector.broadcast %broadcast_in_dim3A_31 : vector<200x1x128xf32> to vector<200x16x128xf32>
    %reshape3A = vector.shape_cast %broadcast_in_dim3A_32 : vector<200x16x128xf32> to vector<3200x128xf32>
    %add3A_33 = arith.addf %add3A, %reshape3A : vector<3200x128xf32>
    %add3A_34 = arith.addf %add3A_27, %reshape3A : vector<3200x128xf32>
    %eq3A = arith.constant 0 : i32
    %eq3A_35 = arith.cmpi eq, %arg0, %eq3A : i32
    %convert_element_type3A = arith.extui %eq3A_35 : i1 to i32
    %cond3A = arith.constant 0 : i32
    %cond3A_36 = arith.cmpi ne, %convert_element_type3A, %cond3A : i32
    scf.if %cond3A_36 {
      %reduce_sum3A_70 = arith.constant dense<0.000000e+00> : vector<128xf32>
      %reduce_sum3A_71 = vector.multi_reduction <add>, %add3A_33, %reduce_sum3A_70 [0] : vector<3200x128xf32> to vector<128xf32>
      %broadcast_in_dim3A_72 = vector.shape_cast %reduce_sum3A_71 : vector<128xf32> to vector<1x128xf32>
      %reduce_sum3A_73 = arith.constant dense<0.000000e+00> : vector<128xf32>
      %reduce_sum3A_74 = vector.multi_reduction <add>, %add3A_34, %reduce_sum3A_73 [0] : vector<3200x128xf32> to vector<128xf32>
      %broadcast_in_dim3A_75 = vector.shape_cast %reduce_sum3A_74 : vector<128xf32> to vector<1x128xf32>
      %add3A_76 = arith.addf %broadcast_in_dim3A_72, %broadcast_in_dim3A_75 : vector<1x128xf32>
      %mul3A_77 = arith.constant 1.562500e-04 : f32
      %mul3A_78 = vector.broadcast %mul3A_77 : f32 to vector<1x128xf32>
      %mul3A_79 = arith.mulf %add3A_76, %mul3A_78 : vector<1x128xf32>
      %swap3A_80 = arith.constant 0 : index
      %swap3A_81 = arith.constant 0 : index
      %swap3A_82 = vector.load %arg9[%swap3A_80, %swap3A_81] : memref<1x128xf32, #tpu.memory_space<vmem>>, vector<1x128xf32>
      tpu.vector_store %arg9[%swap3A_80, %swap3A_81], %mul3A_79 {strides = array<i32>} : memref<1x128xf32, #tpu.memory_space<vmem>>, vector<1x128xf32>,
      %swap3A_83 = arith.constant 0 : index
      %swap3A_84 = arith.constant 0 : index
      %swap3A_85 = vector.load %arg8[%swap3A_83, %swap3A_84] : memref<1x128xf32, #tpu.memory_space<vmem>>, vector<1x128xf32>
      tpu.vector_store %arg8[%swap3A_83, %swap3A_84], %mul3A_79 {strides = array<i32>} : memref<1x128xf32, #tpu.memory_space<vmem>>, vector<1x128xf32>,
      %broadcast_in_dim3A_86 = arith.constant 0.000000e+00 : f32
      %broadcast_in_dim3A_87 = vector.broadcast %broadcast_in_dim3A_86 : f32 to vector<1x128xf32>
      %swap3A_88 = arith.constant 0 : index
      %swap3A_89 = arith.constant 0 : index
      %swap3A_90 = vector.load %arg6[%swap3A_88, %swap3A_89] : memref<1x128xf32, #tpu.memory_space<vmem>>, vector<1x128xf32>
      tpu.vector_store %arg6[%swap3A_88, %swap3A_89], %broadcast_in_dim3A_87 {strides = array<i32>} : memref<1x128xf32, #tpu.memory_space<vmem>>, vector<1x128xf32>,
      %broadcast_in_dim3A_91 = arith.constant 0.000000e+00 : f32
      %broadcast_in_dim3A_92 = vector.broadcast %broadcast_in_dim3A_91 : f32 to vector<1x128xf32>
      %swap3A_93 = arith.constant 0 : index
      %swap3A_94 = arith.constant 0 : index
      %swap3A_95 = vector.load %arg7[%swap3A_93, %swap3A_94] : memref<1x128xf32, #tpu.memory_space<vmem>>, vector<1x128xf32>
      tpu.vector_store %arg7[%swap3A_93, %swap3A_94], %broadcast_in_dim3A_92 {strides = array<i32>} : memref<1x128xf32, #tpu.memory_space<vmem>>, vector<1x128xf32>,
    } else {
    }
    %get3A_37 = arith.constant 0 : index
    %get3A_38 = arith.constant 0 : index
    %get3A_39 = vector.load %arg9[%get3A_37, %get3A_38] : memref<1x128xf32, #tpu.memory_space<vmem>>, vector<1x128xf32>
    %sub3A = vector.broadcast %get3A_39 : vector<1x128xf32> to vector<3200x128xf32>
    %sub3A_40 = arith.subf %add3A_33, %sub3A : vector<3200x128xf32>
    %sub3A_41 = vector.broadcast %get3A_39 : vector<1x128xf32> to vector<3200x128xf32>
    %sub3A_42 = arith.subf %add3A_34, %sub3A_41 : vector<3200x128xf32>
    %get3A_43 = arith.constant 0 : index
    %get3A_44 = arith.constant 0 : index
    %get3A_45 = vector.load %arg6[%get3A_43, %get3A_44] : memref<1x128xf32, #tpu.memory_space<vmem>>, vector<1x128xf32>
    %reduce_sum3A = arith.constant dense<0.000000e+00> : vector<128xf32>
    %reduce_sum3A_46 = vector.multi_reduction <add>, %sub3A_40, %reduce_sum3A [0] : vector<3200x128xf32> to vector<128xf32>
    %broadcast_in_dim3A_47 = vector.shape_cast %reduce_sum3A_46 : vector<128xf32> to vector<1x128xf32>
    %reduce_sum3A_48 = arith.constant dense<0.000000e+00> : vector<128xf32>
    %reduce_sum3A_49 = vector.multi_reduction <add>, %sub3A_42, %reduce_sum3A_48 [0] : vector<3200x128xf32> to vector<128xf32>
    %broadcast_in_dim3A_50 = vector.shape_cast %reduce_sum3A_49 : vector<128xf32> to vector<1x128xf32>
    %add3A_51 = arith.addf %broadcast_in_dim3A_47, %broadcast_in_dim3A_50 : vector<1x128xf32>
    %add3A_52 = arith.addf %get3A_45, %add3A_51 : vector<1x128xf32>
    %swap3A = arith.constant 0 : index
    %swap3A_53 = arith.constant 0 : index
    %swap3A_54 = vector.load %arg6[%swap3A, %swap3A_53] : memref<1x128xf32, #tpu.memory_space<vmem>>, vector<1x128xf32>
    tpu.vector_store %arg6[%swap3A, %swap3A_53], %add3A_52 {strides = array<i32>} : memref<1x128xf32, #tpu.memory_space<vmem>>, vector<1x128xf32>,
    %get3A_55 = arith.constant 0 : index
    %get3A_56 = arith.constant 0 : index
    %get3A_57 = vector.load %arg7[%get3A_55, %get3A_56] : memref<1x128xf32, #tpu.memory_space<vmem>>, vector<1x128xf32>
    %mul3A = arith.mulf %sub3A_40, %sub3A_40 : vector<3200x128xf32>
    %reduce_sum3A_58 = arith.constant dense<0.000000e+00> : vector<128xf32>
    %reduce_sum3A_59 = vector.multi_reduction <add>, %mul3A, %reduce_sum3A_58 [0] : vector<3200x128xf32> to vector<128xf32>
    %broadcast_in_dim3A_60 = vector.shape_cast %reduce_sum3A_59 : vector<128xf32> to vector<1x128xf32>
    %mul3A_61 = arith.mulf %sub3A_42, %sub3A_42 : vector<3200x128xf32>
    %reduce_sum3A_62 = arith.constant dense<0.000000e+00> : vector<128xf32>
    %reduce_sum3A_63 = vector.multi_reduction <add>, %mul3A_61, %reduce_sum3A_62 [0] : vector<3200x128xf32> to vector<128xf32>
    %broadcast_in_dim3A_64 = vector.shape_cast %reduce_sum3A_63 : vector<128xf32> to vector<1x128xf32>
    %add3A_65 = arith.addf %broadcast_in_dim3A_60, %broadcast_in_dim3A_64 : vector<1x128xf32>
    %add3A_66 = arith.addf %get3A_57, %add3A_65 : vector<1x128xf32>
    %swap3A_67 = arith.constant 0 : index
    %swap3A_68 = arith.constant 0 : index
    %swap3A_69 = vector.load %arg7[%swap3A_67, %swap3A_68] : memref<1x128xf32, #tpu.memory_space<vmem>>, vector<1x128xf32>
    tpu.vector_store %arg7[%swap3A_67, %swap3A_68], %add3A_66 {strides = array<i32>} : memref<1x128xf32, #tpu.memory_space<vmem>>, vector<1x128xf32>,
    return
  }
  func.func @transform_0(%arg0: i32) -> (i32, i32) {
    %c0_i32 = arith.constant 0 : i32
    %c0_i32_0 = arith.constant 0 : i32
    return %arg0, %c0_i32 : i32, i32
  }
  func.func @transform_1(%arg0: i32) -> (i32, i32) {
    %c0_i32 = arith.constant 0 : i32
    %c0_i32_0 = arith.constant 0 : i32
    return %arg0, %c0_i32 : i32, i32
  }
  func.func @transform_2(%arg0: i32) -> (i32, i32) {
    %c0_i32 = arith.constant 0 : i32
    %c0_i32_0 = arith.constant 0 : i32
    return %arg0, %c0_i32 : i32, i32
  }
  func.func @transform_3(%arg0: i32) -> (i32, i32) {
    %c0_i32 = arith.constant 0 : i32
    %c0_i32_0 = arith.constant 0 : i32
    %c0_i32_1 = arith.constant 0 : i32
    return %c0_i32, %c0_i32_0 : i32, i32
  }
  func.func @transform_4(%arg0: i32) -> (i32, i32) {
    %c0_i32 = arith.constant 0 : i32
    %c0_i32_0 = arith.constant 0 : i32
    %c0_i32_1 = arith.constant 0 : i32
    return %c0_i32, %c0_i32_0 : i32, i32
  }
  func.func @transform_5(%arg0: i32) -> (i32, i32) {
    %c0_i32 = arith.constant 0 : i32
    %c0_i32_0 = arith.constant 0 : i32
    %c0_i32_1 = arith.constant 0 : i32
    return %c0_i32, %c0_i32_0 : i32, i32
  }
  func.func @transform_6(%arg0: i32) -> (i32, i32) {
    %c0_i32 = arith.constant 0 : i32
    %c0_i32_0 = arith.constant 0 : i32
    %c0_i32_1 = arith.constant 0 : i32
    return %c0_i32, %c0_i32_0 : i32, i32
  }
  func.func @transform_7(%arg0: i32) -> (i32, i32) {
    %c0_i32 = arith.constant 0 : i32
    %c0_i32_0 = arith.constant 0 : i32
    %c0_i32_1 = arith.constant 0 : i32
    return %c0_i32, %c0_i32_0 : i32, i32
  }
}

module attributes {stable_mosaic.version = 14 : i64} {
  func.func @_update_body_p(%arg0: i32, %arg1: memref<1000x64xf32, #tpu.memory_space<vmem>>, %arg2: memref<1000x64xf32, #tpu.memory_space<vmem>>, %arg3: memref<1x64xf32, #tpu.memory_space<vmem>>, %arg4: memref<1x64xf32, #tpu.memory_space<vmem>>, %arg5: memref<1x64xf32, #tpu.memory_space<vmem>>, %arg6: memref<1x64xf32, #tpu.memory_space<vmem>>, %arg7: memref<1x64xf32, #tpu.memory_space<vmem>>, %arg8: memref<64x128xf32, #tpu.memory_space<vmem>>, %arg9: memref<1x128xf32, #tpu.memory_space<vmem>>, %arg10: memref<1000x64xf32, #tpu.memory_space<vmem>>, %arg11: memref<1000x128xf32, #tpu.memory_space<vmem>>) attributes {dimension_semantics = [#tpu.dimension_semantics<arbitrary>], iteration_bounds = array<i64: 10>, scalar_prefetch = 0 : i64, scratch_operands = 0 : i64, tpu.core_type = #tpu.core_type<tc>, window_params = [{transform_indices = @transform_0, window_bounds = array<i64: 1000, 64>}, {transform_indices = @transform_1, window_bounds = array<i64: 1000, 64>}, {pipeline_mode = #tpu.pipeline_mode<synchronous>, transform_indices = @transform_2, window_bounds = array<i64: 1, 64>}, {pipeline_mode = #tpu.pipeline_mode<synchronous>, transform_indices = @transform_3, window_bounds = array<i64: 1, 64>}, {pipeline_mode = #tpu.pipeline_mode<synchronous>, transform_indices = @transform_4, window_bounds = array<i64: 1, 64>}, {pipeline_mode = #tpu.pipeline_mode<synchronous>, transform_indices = @transform_5, window_bounds = array<i64: 1, 64>}, {pipeline_mode = #tpu.pipeline_mode<synchronous>, transform_indices = @transform_6, window_bounds = array<i64: 1, 64>}, {pipeline_mode = #tpu.pipeline_mode<synchronous>, transform_indices = @transform_7, window_bounds = array<i64: 64, 128>}, {pipeline_mode = #tpu.pipeline_mode<synchronous>, transform_indices = @transform_8, window_bounds = array<i64: 1, 128>}, {transform_indices = @transform_9, window_bounds = array<i64: 1000, 64>}, {transform_indices = @transform_10, window_bounds = array<i64: 1000, 128>}]} {
    %get3A = arith.constant 0 : index
    %get3A_0 = arith.constant 0 : index
    %get3A_1 = vector.load %arg3[%get3A, %get3A_0] : memref<1x64xf32, #tpu.memory_space<vmem>>, vector<1x64xf32>
    %mul3A = arith.constant 9.99999974E-5 : f32
    %mul3A_2 = vector.broadcast %mul3A : f32 to vector<1x64xf32>
    %mul3A_3 = arith.mulf %get3A_1, %mul3A_2 : vector<1x64xf32>
    %get3A_4 = arith.constant 0 : index
    %get3A_5 = arith.constant 0 : index
    %get3A_6 = vector.load %arg5[%get3A_4, %get3A_5] : memref<1x64xf32, #tpu.memory_space<vmem>>, vector<1x64xf32>
    %add3A = arith.addf %get3A_6, %mul3A_3 : vector<1x64xf32>
    %get3A_7 = arith.constant 0 : index
    %get3A_8 = arith.constant 0 : index
    %get3A_9 = vector.load %arg4[%get3A_7, %get3A_8] : memref<1x64xf32, #tpu.memory_space<vmem>>, vector<1x64xf32>
    %mul3A_10 = arith.constant 9.99999974E-5 : f32
    %mul3A_11 = vector.broadcast %mul3A_10 : f32 to vector<1x64xf32>
    %mul3A_12 = arith.mulf %get3A_9, %mul3A_11 : vector<1x64xf32>
    %mul3A_13 = arith.mulf %mul3A_3, %mul3A_3 : vector<1x64xf32>
    %sub3A = arith.subf %mul3A_12, %mul3A_13 : vector<1x64xf32>
    %get3A_14 = arith.constant 0 : index
    %get3A_15 = arith.constant 0 : index
    %get3A_16 = vector.load %arg6[%get3A_14, %get3A_15] : memref<1x64xf32, #tpu.memory_space<vmem>>, vector<1x64xf32>
    %add3A_17 = arith.constant 9.99999974E-6 : f32
    %add3A_18 = vector.broadcast %add3A_17 : f32 to vector<1x64xf32>
    %add3A_19 = arith.addf %sub3A, %add3A_18 : vector<1x64xf32>
    %sqrt3A = math.sqrt %add3A_19 : vector<1x64xf32>
    %div3A = arith.divf %get3A_16, %sqrt3A : vector<1x64xf32>
    %get3A_20 = arith.constant 0 : index
    %get3A_21 = arith.constant 0 : index
    %get3A_22 = vector.load %arg7[%get3A_20, %get3A_21] : memref<1x64xf32, #tpu.memory_space<vmem>>, vector<1x64xf32>
    %mul3A_23 = arith.mulf %add3A, %div3A : vector<1x64xf32>
    %sub3A_24 = arith.subf %get3A_22, %mul3A_23 : vector<1x64xf32>
    %get3A_25 = arith.constant 0 : index
    %get3A_26 = arith.constant 0 : index
    %get3A_27 = vector.load %arg1[%get3A_25, %get3A_26] : memref<1000x64xf32, #tpu.memory_space<vmem>>, vector<1000x64xf32>
    %get3A_28 = arith.constant 0 : index
    %get3A_29 = arith.constant 0 : index
    %get3A_30 = vector.load %arg2[%get3A_28, %get3A_29] : memref<1000x64xf32, #tpu.memory_space<vmem>>, vector<1000x64xf32>
    %mul3A_31 = vector.broadcast %div3A : vector<1x64xf32> to vector<1000x64xf32>
    %mul3A_32 = arith.mulf %get3A_30, %mul3A_31 : vector<1000x64xf32>
    %add3A_33 = arith.addf %get3A_27, %mul3A_32 : vector<1000x64xf32>
    %add3A_34 = vector.broadcast %sub3A_24 : vector<1x64xf32> to vector<1000x64xf32>
    %add3A_35 = arith.addf %add3A_33, %add3A_34 : vector<1000x64xf32>
    %custom_jvp_call3A = arith.constant 0.000000e+00 : f32
    %max3A = vector.broadcast %custom_jvp_call3A : f32 to vector<1000x64xf32>
    %max3A_36 = arith.maximumf %add3A_35, %max3A : vector<1000x64xf32>
    %sub3A_37 = vector.broadcast %custom_jvp_call3A : f32 to vector<1000x64xf32>
    %sub3A_38 = arith.subf %add3A_35, %sub3A_37 : vector<1000x64xf32>
    %ne3A = arith.cmpf one, %sub3A_38, %sub3A_38 : vector<1000x64xf32>
    %add3A_39 = vector.broadcast %custom_jvp_call3A : f32 to vector<1000x64xf32>
    %add3A_40 = arith.addf %add3A_35, %add3A_39 : vector<1000x64xf32>
    %abs3A = math.absf %sub3A_38 : vector<1000x64xf32>
    %neg3A = arith.constant 0.000000e+00 : f32
    %neg3A_41 = vector.broadcast %neg3A : f32 to vector<1000x64xf32>
    %neg3A_42 = arith.subf %neg3A_41, %abs3A : vector<1000x64xf32>
    %exp3A = math.exp %neg3A_42 : vector<1000x64xf32>
    %log1p3A = math.log1p %exp3A : vector<1000x64xf32>
    %add3A_43 = arith.addf %max3A_36, %log1p3A : vector<1000x64xf32>
    %select_n3A = arith.select %ne3A, %add3A_40, %add3A_43 : vector<1000x64xi1>, vector<1000x64xf32>
    %swap3A = arith.constant 0 : index
    %swap3A_44 = arith.constant 0 : index
    %swap3A_45 = vector.load %arg10[%swap3A, %swap3A_44] : memref<1000x64xf32, #tpu.memory_space<vmem>>, vector<1000x64xf32>
    tpu.vector_store %arg10[%swap3A, %swap3A_44], %select_n3A {strides = array<i32>} : memref<1000x64xf32, #tpu.memory_space<vmem>>, vector<1000x64xf32>,
    %get3A_46 = arith.constant 0 : index
    %get3A_47 = arith.constant 0 : index
    %get3A_48 = vector.load %arg8[%get3A_46, %get3A_47] : memref<64x128xf32, #tpu.memory_space<vmem>>, vector<64x128xf32>
    %dot_general3A = arith.constant dense<0.000000e+00> : vector<1000x128xf32>
    %dot_general3A_49 = tpu.matmul %select_n3A, %get3A_48, %dot_general3A {dimension_numbers = #tpu.dot_dimension_numbers<[1], [0], [0], [1], [0, 0, 1, 1], [], []>, transpose_lhs_hint = false} : vector<1000x64xf32>, vector<64x128xf32>, vector<1000x128xf32> -> vector<1000x128xf32>
    %get3A_50 = arith.constant 0 : index
    %get3A_51 = arith.constant 0 : index
    %get3A_52 = vector.load %arg9[%get3A_50, %get3A_51] : memref<1x128xf32, #tpu.memory_space<vmem>>, vector<1x128xf32>
    %add3A_53 = vector.broadcast %get3A_52 : vector<1x128xf32> to vector<1000x128xf32>
    %add3A_54 = arith.addf %dot_general3A_49, %add3A_53 : vector<1000x128xf32>
    %swap3A_55 = arith.constant 0 : index
    %swap3A_56 = arith.constant 0 : index
    %swap3A_57 = vector.load %arg11[%swap3A_55, %swap3A_56] : memref<1000x128xf32, #tpu.memory_space<vmem>>, vector<1000x128xf32>
    tpu.vector_store %arg11[%swap3A_55, %swap3A_56], %add3A_54 {strides = array<i32>} : memref<1000x128xf32, #tpu.memory_space<vmem>>, vector<1000x128xf32>,
    return
  }
  func.func @transform_0(%arg0: i32) -> (i32, i32) {
    %c0_i32 = arith.constant 0 : i32
    %c0_i32_0 = arith.constant 0 : i32
    return %arg0, %c0_i32 : i32, i32
  }
  func.func @transform_1(%arg0: i32) -> (i32, i32) {
    %c0_i32 = arith.constant 0 : i32
    %c0_i32_0 = arith.constant 0 : i32
    return %arg0, %c0_i32 : i32, i32
  }
  func.func @transform_2(%arg0: i32) -> (i32, i32) {
    %c0_i32 = arith.constant 0 : i32
    %c0_i32_0 = arith.constant 0 : i32
    %c0_i32_1 = arith.constant 0 : i32
    return %c0_i32, %c0_i32_0 : i32, i32
  }
  func.func @transform_3(%arg0: i32) -> (i32, i32) {
    %c0_i32 = arith.constant 0 : i32
    %c0_i32_0 = arith.constant 0 : i32
    %c0_i32_1 = arith.constant 0 : i32
    return %c0_i32, %c0_i32_0 : i32, i32
  }
  func.func @transform_4(%arg0: i32) -> (i32, i32) {
    %c0_i32 = arith.constant 0 : i32
    %c0_i32_0 = arith.constant 0 : i32
    %c0_i32_1 = arith.constant 0 : i32
    return %c0_i32, %c0_i32_0 : i32, i32
  }
  func.func @transform_5(%arg0: i32) -> (i32, i32) {
    %c0_i32 = arith.constant 0 : i32
    %c0_i32_0 = arith.constant 0 : i32
    %c0_i32_1 = arith.constant 0 : i32
    return %c0_i32, %c0_i32_0 : i32, i32
  }
  func.func @transform_6(%arg0: i32) -> (i32, i32) {
    %c0_i32 = arith.constant 0 : i32
    %c0_i32_0 = arith.constant 0 : i32
    %c0_i32_1 = arith.constant 0 : i32
    return %c0_i32, %c0_i32_0 : i32, i32
  }
  func.func @transform_7(%arg0: i32) -> (i32, i32) {
    %c0_i32 = arith.constant 0 : i32
    %c0_i32_0 = arith.constant 0 : i32
    %c0_i32_1 = arith.constant 0 : i32
    return %c0_i32, %c0_i32_0 : i32, i32
  }
  func.func @transform_8(%arg0: i32) -> (i32, i32) {
    %c0_i32 = arith.constant 0 : i32
    %c0_i32_0 = arith.constant 0 : i32
    %c0_i32_1 = arith.constant 0 : i32
    return %c0_i32, %c0_i32_0 : i32, i32
  }
  func.func @transform_9(%arg0: i32) -> (i32, i32) {
    %c0_i32 = arith.constant 0 : i32
    %c0_i32_0 = arith.constant 0 : i32
    return %arg0, %c0_i32 : i32, i32
  }
  func.func @transform_10(%arg0: i32) -> (i32, i32) {
    %c0_i32 = arith.constant 0 : i32
    %c0_i32_0 = arith.constant 0 : i32
    return %arg0, %c0_i32 : i32, i32
  }
}

module attributes {stable_mosaic.version = 14 : i64} {
  func.func @_update_body(%arg0: i32, %arg1: memref<1000x64xf32, #tpu.memory_space<vmem>>, %arg2: memref<1000x64xf32, #tpu.memory_space<vmem>>, %arg3: memref<1x64xf32, #tpu.memory_space<vmem>>, %arg4: memref<1x64xf32, #tpu.memory_space<vmem>>, %arg5: memref<1x64xf32, #tpu.memory_space<vmem>>, %arg6: memref<1x64xf32, #tpu.memory_space<vmem>>, %arg7: memref<1x64xf32, #tpu.memory_space<vmem>>, %arg8: memref<1000x64xf32, #tpu.memory_space<vmem>>) attributes {dimension_semantics = [#tpu.dimension_semantics<arbitrary>], iteration_bounds = array<i64: 10>, scalar_prefetch = 0 : i64, scratch_operands = 0 : i64, tpu.core_type = #tpu.core_type<tc>, window_params = [{transform_indices = @transform_0, window_bounds = array<i64: 1000, 64>}, {transform_indices = @transform_1, window_bounds = array<i64: 1000, 64>}, {pipeline_mode = #tpu.pipeline_mode<synchronous>, transform_indices = @transform_2, window_bounds = array<i64: 1, 64>}, {pipeline_mode = #tpu.pipeline_mode<synchronous>, transform_indices = @transform_3, window_bounds = array<i64: 1, 64>}, {pipeline_mode = #tpu.pipeline_mode<synchronous>, transform_indices = @transform_4, window_bounds = array<i64: 1, 64>}, {pipeline_mode = #tpu.pipeline_mode<synchronous>, transform_indices = @transform_5, window_bounds = array<i64: 1, 64>}, {pipeline_mode = #tpu.pipeline_mode<synchronous>, transform_indices = @transform_6, window_bounds = array<i64: 1, 64>}, {transform_indices = @transform_7, window_bounds = array<i64: 1000, 64>}]} {
    %get3A = arith.constant 0 : index
    %get3A_0 = arith.constant 0 : index
    %get3A_1 = vector.load %arg3[%get3A, %get3A_0] : memref<1x64xf32, #tpu.memory_space<vmem>>, vector<1x64xf32>
    %mul3A = arith.constant 9.99999974E-5 : f32
    %mul3A_2 = vector.broadcast %mul3A : f32 to vector<1x64xf32>
    %mul3A_3 = arith.mulf %get3A_1, %mul3A_2 : vector<1x64xf32>
    %get3A_4 = arith.constant 0 : index
    %get3A_5 = arith.constant 0 : index
    %get3A_6 = vector.load %arg5[%get3A_4, %get3A_5] : memref<1x64xf32, #tpu.memory_space<vmem>>, vector<1x64xf32>
    %add3A = arith.addf %get3A_6, %mul3A_3 : vector<1x64xf32>
    %get3A_7 = arith.constant 0 : index
    %get3A_8 = arith.constant 0 : index
    %get3A_9 = vector.load %arg4[%get3A_7, %get3A_8] : memref<1x64xf32, #tpu.memory_space<vmem>>, vector<1x64xf32>
    %mul3A_10 = arith.constant 9.99999974E-5 : f32
    %mul3A_11 = vector.broadcast %mul3A_10 : f32 to vector<1x64xf32>
    %mul3A_12 = arith.mulf %get3A_9, %mul3A_11 : vector<1x64xf32>
    %mul3A_13 = arith.mulf %mul3A_3, %mul3A_3 : vector<1x64xf32>
    %sub3A = arith.subf %mul3A_12, %mul3A_13 : vector<1x64xf32>
    %get3A_14 = arith.constant 0 : index
    %get3A_15 = arith.constant 0 : index
    %get3A_16 = vector.load %arg6[%get3A_14, %get3A_15] : memref<1x64xf32, #tpu.memory_space<vmem>>, vector<1x64xf32>
    %add3A_17 = arith.constant 9.99999974E-6 : f32
    %add3A_18 = vector.broadcast %add3A_17 : f32 to vector<1x64xf32>
    %add3A_19 = arith.addf %sub3A, %add3A_18 : vector<1x64xf32>
    %sqrt3A = math.sqrt %add3A_19 : vector<1x64xf32>
    %div3A = arith.divf %get3A_16, %sqrt3A : vector<1x64xf32>
    %get3A_20 = arith.constant 0 : index
    %get3A_21 = arith.constant 0 : index
    %get3A_22 = vector.load %arg7[%get3A_20, %get3A_21] : memref<1x64xf32, #tpu.memory_space<vmem>>, vector<1x64xf32>
    %mul3A_23 = arith.mulf %add3A, %div3A : vector<1x64xf32>
    %sub3A_24 = arith.subf %get3A_22, %mul3A_23 : vector<1x64xf32>
    %get3A_25 = arith.constant 0 : index
    %get3A_26 = arith.constant 0 : index
    %get3A_27 = vector.load %arg1[%get3A_25, %get3A_26] : memref<1000x64xf32, #tpu.memory_space<vmem>>, vector<1000x64xf32>
    %get3A_28 = arith.constant 0 : index
    %get3A_29 = arith.constant 0 : index
    %get3A_30 = vector.load %arg2[%get3A_28, %get3A_29] : memref<1000x64xf32, #tpu.memory_space<vmem>>, vector<1000x64xf32>
    %mul3A_31 = vector.broadcast %div3A : vector<1x64xf32> to vector<1000x64xf32>
    %mul3A_32 = arith.mulf %get3A_30, %mul3A_31 : vector<1000x64xf32>
    %add3A_33 = arith.addf %get3A_27, %mul3A_32 : vector<1000x64xf32>
    %add3A_34 = vector.broadcast %sub3A_24 : vector<1x64xf32> to vector<1000x64xf32>
    %add3A_35 = arith.addf %add3A_33, %add3A_34 : vector<1000x64xf32>
    %custom_jvp_call3A = arith.constant 0.000000e+00 : f32
    %max3A = vector.broadcast %custom_jvp_call3A : f32 to vector<1000x64xf32>
    %max3A_36 = arith.maximumf %add3A_35, %max3A : vector<1000x64xf32>
    %sub3A_37 = vector.broadcast %custom_jvp_call3A : f32 to vector<1000x64xf32>
    %sub3A_38 = arith.subf %add3A_35, %sub3A_37 : vector<1000x64xf32>
    %ne3A = arith.cmpf one, %sub3A_38, %sub3A_38 : vector<1000x64xf32>
    %add3A_39 = vector.broadcast %custom_jvp_call3A : f32 to vector<1000x64xf32>
    %add3A_40 = arith.addf %add3A_35, %add3A_39 : vector<1000x64xf32>
    %abs3A = math.absf %sub3A_38 : vector<1000x64xf32>
    %neg3A = arith.constant 0.000000e+00 : f32
    %neg3A_41 = vector.broadcast %neg3A : f32 to vector<1000x64xf32>
    %neg3A_42 = arith.subf %neg3A_41, %abs3A : vector<1000x64xf32>
    %exp3A = math.exp %neg3A_42 : vector<1000x64xf32>
    %log1p3A = math.log1p %exp3A : vector<1000x64xf32>
    %add3A_43 = arith.addf %max3A_36, %log1p3A : vector<1000x64xf32>
    %select_n3A = arith.select %ne3A, %add3A_40, %add3A_43 : vector<1000x64xi1>, vector<1000x64xf32>
    %swap3A = arith.constant 0 : index
    %swap3A_44 = arith.constant 0 : index
    %swap3A_45 = vector.load %arg8[%swap3A, %swap3A_44] : memref<1000x64xf32, #tpu.memory_space<vmem>>, vector<1000x64xf32>
    tpu.vector_store %arg8[%swap3A, %swap3A_44], %select_n3A {strides = array<i32>} : memref<1000x64xf32, #tpu.memory_space<vmem>>, vector<1000x64xf32>,
    return
  }
  func.func @transform_0(%arg0: i32) -> (i32, i32) {
    %c0_i32 = arith.constant 0 : i32
    %c0_i32_0 = arith.constant 0 : i32
    return %arg0, %c0_i32 : i32, i32
  }
  func.func @transform_1(%arg0: i32) -> (i32, i32) {
    %c0_i32 = arith.constant 0 : i32
    %c0_i32_0 = arith.constant 0 : i32
    return %arg0, %c0_i32 : i32, i32
  }
  func.func @transform_2(%arg0: i32) -> (i32, i32) {
    %c0_i32 = arith.constant 0 : i32
    %c0_i32_0 = arith.constant 0 : i32
    %c0_i32_1 = arith.constant 0 : i32
    return %c0_i32, %c0_i32_0 : i32, i32
  }
  func.func @transform_3(%arg0: i32) -> (i32, i32) {
    %c0_i32 = arith.constant 0 : i32
    %c0_i32_0 = arith.constant 0 : i32
    %c0_i32_1 = arith.constant 0 : i32
    return %c0_i32, %c0_i32_0 : i32, i32
  }
  func.func @transform_4(%arg0: i32) -> (i32, i32) {
    %c0_i32 = arith.constant 0 : i32
    %c0_i32_0 = arith.constant 0 : i32
    %c0_i32_1 = arith.constant 0 : i32
    return %c0_i32, %c0_i32_0 : i32, i32
  }
  func.func @transform_5(%arg0: i32) -> (i32, i32) {
    %c0_i32 = arith.constant 0 : i32
    %c0_i32_0 = arith.constant 0 : i32
    %c0_i32_1 = arith.constant 0 : i32
    return %c0_i32, %c0_i32_0 : i32, i32
  }
  func.func @transform_6(%arg0: i32) -> (i32, i32) {
    %c0_i32 = arith.constant 0 : i32
    %c0_i32_0 = arith.constant 0 : i32
    %c0_i32_1 = arith.constant 0 : i32
    return %c0_i32, %c0_i32_0 : i32, i32
  }
  func.func @transform_7(%arg0: i32) -> (i32, i32) {
    %c0_i32 = arith.constant 0 : i32
    %c0_i32_0 = arith.constant 0 : i32
    return %arg0, %c0_i32 : i32, i32
  }
}

module attributes {stable_mosaic.version = 14 : i64} {
  func.func @_head_body(%arg0: memref<10000x64xf32, #tpu.memory_space<vmem>>, %arg1: memref<64x128xf32, #tpu.memory_space<vmem>>, %arg2: memref<1x128xf32, #tpu.memory_space<vmem>>, %arg3: memref<128x1xf32, #tpu.memory_space<vmem>>, %arg4: memref<1x1xf32, #tpu.memory_space<vmem>>, %arg5: memref<100x1xf32, #tpu.memory_space<vmem>>) attributes {dimension_semantics = [], scalar_prefetch = 0 : i64, scratch_operands = 0 : i64, tpu.core_type = #tpu.core_type<tc>} {
    %get3A = arith.constant 0 : index
    %get3A_0 = arith.constant 0 : index
    %get3A_1 = vector.load %arg0[%get3A, %get3A_0] : memref<10000x64xf32, #tpu.memory_space<vmem>>, vector<10000x64xf32>
    %reshape3A = vector.shape_cast %get3A_1 : vector<10000x64xf32> to vector<100x100x64xf32>
    %reduce_sum3A = arith.constant dense<0.000000e+00> : vector<100x64xf32>
    %reduce_sum3A_2 = vector.multi_reduction <add>, %reshape3A, %reduce_sum3A [1] : vector<100x100x64xf32> to vector<100x64xf32>
    %div3A = arith.constant 1.000000e+02 : f32
    %div3A_3 = vector.broadcast %div3A : f32 to vector<100x64xf32>
    %div3A_4 = arith.divf %reduce_sum3A_2, %div3A_3 : vector<100x64xf32>
    %custom_jvp_call3A = arith.constant 0.000000e+00 : f32
    %max3A = vector.broadcast %custom_jvp_call3A : f32 to vector<100x64xf32>
    %max3A_5 = arith.maximumf %div3A_4, %max3A : vector<100x64xf32>
    %sub3A = vector.broadcast %custom_jvp_call3A : f32 to vector<100x64xf32>
    %sub3A_6 = arith.subf %div3A_4, %sub3A : vector<100x64xf32>
    %ne3A = arith.cmpf one, %sub3A_6, %sub3A_6 : vector<100x64xf32>
    %add3A = vector.broadcast %custom_jvp_call3A : f32 to vector<100x64xf32>
    %add3A_7 = arith.addf %div3A_4, %add3A : vector<100x64xf32>
    %abs3A = math.absf %sub3A_6 : vector<100x64xf32>
    %neg3A = arith.constant 0.000000e+00 : f32
    %neg3A_8 = vector.broadcast %neg3A : f32 to vector<100x64xf32>
    %neg3A_9 = arith.subf %neg3A_8, %abs3A : vector<100x64xf32>
    %exp3A = math.exp %neg3A_9 : vector<100x64xf32>
    %log1p3A = math.log1p %exp3A : vector<100x64xf32>
    %add3A_10 = arith.addf %max3A_5, %log1p3A : vector<100x64xf32>
    %select_n3A = arith.select %ne3A, %add3A_7, %add3A_10 : vector<100x64xi1>, vector<100x64xf32>
    %get3A_11 = arith.constant 0 : index
    %get3A_12 = arith.constant 0 : index
    %get3A_13 = vector.load %arg1[%get3A_11, %get3A_12] : memref<64x128xf32, #tpu.memory_space<vmem>>, vector<64x128xf32>
    %dot_general3A = arith.constant dense<0.000000e+00> : vector<100x128xf32>
    %dot_general3A_14 = tpu.matmul %select_n3A, %get3A_13, %dot_general3A {dimension_numbers = #tpu.dot_dimension_numbers<[1], [0], [0], [1], [0, 0, 1, 1], [], []>, transpose_lhs_hint = false} : vector<100x64xf32>, vector<64x128xf32>, vector<100x128xf32> -> vector<100x128xf32>
    %get3A_15 = arith.constant 0 : index
    %get3A_16 = arith.constant 0 : index
    %get3A_17 = vector.load %arg2[%get3A_15, %get3A_16] : memref<1x128xf32, #tpu.memory_space<vmem>>, vector<1x128xf32>
    %add3A_18 = vector.broadcast %get3A_17 : vector<1x128xf32> to vector<100x128xf32>
    %add3A_19 = arith.addf %dot_general3A_14, %add3A_18 : vector<100x128xf32>
    %custom_jvp_call3A_20 = arith.constant 0.000000e+00 : f32
    %max3A_21 = vector.broadcast %custom_jvp_call3A_20 : f32 to vector<100x128xf32>
    %max3A_22 = arith.maximumf %add3A_19, %max3A_21 : vector<100x128xf32>
    %sub3A_23 = vector.broadcast %custom_jvp_call3A_20 : f32 to vector<100x128xf32>
    %sub3A_24 = arith.subf %add3A_19, %sub3A_23 : vector<100x128xf32>
    %ne3A_25 = arith.cmpf one, %sub3A_24, %sub3A_24 : vector<100x128xf32>
    %add3A_26 = vector.broadcast %custom_jvp_call3A_20 : f32 to vector<100x128xf32>
    %add3A_27 = arith.addf %add3A_19, %add3A_26 : vector<100x128xf32>
    %abs3A_28 = math.absf %sub3A_24 : vector<100x128xf32>
    %neg3A_29 = arith.constant 0.000000e+00 : f32
    %neg3A_30 = vector.broadcast %neg3A_29 : f32 to vector<100x128xf32>
    %neg3A_31 = arith.subf %neg3A_30, %abs3A_28 : vector<100x128xf32>
    %exp3A_32 = math.exp %neg3A_31 : vector<100x128xf32>
    %log1p3A_33 = math.log1p %exp3A_32 : vector<100x128xf32>
    %add3A_34 = arith.addf %max3A_22, %log1p3A_33 : vector<100x128xf32>
    %select_n3A_35 = arith.select %ne3A_25, %add3A_27, %add3A_34 : vector<100x128xi1>, vector<100x128xf32>
    %get3A_36 = arith.constant 0 : index
    %get3A_37 = arith.constant 0 : index
    %get3A_38 = vector.load %arg3[%get3A_36, %get3A_37] : memref<128x1xf32, #tpu.memory_space<vmem>>, vector<128x1xf32>
    %dot_general3A_39 = arith.constant dense<0.000000e+00> : vector<100x1xf32>
    %dot_general3A_40 = tpu.matmul %select_n3A_35, %get3A_38, %dot_general3A_39 {dimension_numbers = #tpu.dot_dimension_numbers<[1], [0], [0], [1], [0, 0, 1, 1], [], []>, transpose_lhs_hint = false} : vector<100x128xf32>, vector<128x1xf32>, vector<100x1xf32> -> vector<100x1xf32>
    %get3A_41 = arith.constant 0 : index
    %get3A_42 = arith.constant 0 : index
    %get3A_43 = vector.load %arg4[%get3A_41, %get3A_42] : memref<1x1xf32, #tpu.memory_space<vmem>>, vector<1x1xf32>
    %add3A_44 = vector.broadcast %get3A_43 : vector<1x1xf32> to vector<100x1xf32>
    %add3A_45 = arith.addf %dot_general3A_40, %add3A_44 : vector<100x1xf32>
    %swap3A = arith.constant 0 : index
    %swap3A_46 = arith.constant 0 : index
    %swap3A_47 = vector.load %arg5[%swap3A, %swap3A_46] : memref<100x1xf32, #tpu.memory_space<vmem>>, vector<100x1xf32>
    tpu.vector_store %arg5[%swap3A, %swap3A_46], %add3A_45 {strides = array<i32>} : memref<100x1xf32, #tpu.memory_space<vmem>>, vector<100x1xf32>,
    return
  }
}

</mosaic_0001>

<sc_bundles>
// kernel: kernel.16.cloned.1.call-start
scs
__scs_entry_jumppad:
0x0: {  	(pc) =	sbr.rel $0x88, $3  }
0x1: {  	(tag) =	ssettag $0x0;
	lr =	simm.s32 $0x1  }
0x2: {  	[smem:$0x3F92] =	sst lr;
	_ =	strace $0xD0000000  }
0x3: {  	_ = 	snop  }
0x4: {  	_ = 	snop  }
0x5: {  	_ = 	snop  }
0x6: {  	_ = 	snop  }
0x7: {  	_ = 	snop  }
__scs_overlays_trampoline_lowered:
0x8: {  	[smem:$0x3FA1] =	sst s0  }
0x9: {  	[smem:$0x3FA2] =	sst s1  }
0xa: {  	[smem:$0x3FA3] =	sst s2  }
0xb: {  	[smem:$0x3FA4] =	sst s3  }
0xc: {  	[smem:$0x3FA5] =	sst s4  }
0xd: {  	[smem:$0x3FA6] =	sst s5  }
0xe: {  	[smem:$0x3FA7] =	sst s6  }
0xf: {  	[smem:$0x3FA8] =	sst s7  }
0x10: {  	[smem:$0x3FA9] =	sst s8  }
0x11: {  	[smem:$0x3FAA] =	sst s9;
	s0 =	simm.s32 @!p0 $0x0  }
0x12: {  	s1 =	sld [smem:$0x3F90];
	s0 =	simm.s32 @p0 $0x1  }
0x13: {  	[smem:$0x3FAB] =	sst s0;
	s0 =	simm.s32 @!p1 $0x0  }
0x14: {  	s2 =	sld [smem:$0x3F8F];
	s0 =	simm.s32 @p1 $0x1  }
0x15: {  	[smem:$0x3FAC] =	sst s0;
	s0 =	simm.s32 @!p2 $0x0  }
0x16: {  	s3 =	sld [smem:$0x3FDB];
	s0 =	simm.s32 @p2 $0x1  }
0x17: {  	s4 =	simm.s32 $0x1BF5;
	[smem:$0x3FAE] =	sst s0  }
0x18: {  	s0 =	sld [smem:$0x3F91];
	_ =	swait.ge [sflag:s4], $0x0  }
0x19: {  	s7 =	sld [smem:$0x3F92]  }
0x1a: {  	s8 =	sadd.s32 $0xFFFFE003, lr  }
0x1b: {  	s9 =	sadd.s32 $0xFFFFFEF7, lr;
	s5 =	simm.s32 $0xFFFFFFFF;
	p2 =	slt.u32 s8, $0xFFFFF086  }
0x1c: {  	p1 =	slt.u32 s9, $0xF7A;
	s5 =	simm.s32 @!p2 $0x0  }
0x1d: {  	s5 =	simm.s32 @p1 $0x1;
	p0 =	seq.s32 s7, s2  }
0x1e: {  	s7 =	smul.u32 @!p0 $0xF7A, s2;
	p2 =	seq.s32 @!p0 s5, $0x0  }
0x1f: {  	s9 =	smul.u32 $0xF7A, s1;
	s8 =	simm.s32 @!p0 $0x1BF5;
	p2 =	por !p2, p0  }
0x20: {  	[sflag:s8] =	ssyncset.s32 @!p0 $0xFFFFF086;
	s6 =	sadd.s32 @!p0 s3, s7;
	s7 =	simm.s32 @!p0 $0x108  }
0x21: {  	s3 =	sadd.s32 s3, s9;
	s6 =	sadd.s32 @!p0 $0x88, s6;
	s7 =	simm.s32 @p2 $0x1082  }
0x22: {  	[simem:s7], [sflag:s8] =	dma.local @!p0 [hbm:s6], $0xF7A  }
0x23: {  	s9 =	sor.u32 $0xD0000000, s2;
	s6 =	simm.s32 $0x108;
	_ =	swait.ge @!p0 [sflag:s8], $0x0  }
0x24: {  	s3 =	sadd.s32 $0x88, s3;
	s6 =	simm.s32 @!p1 $0x1082;
	[sflag:s4] =	ssyncset.s32 $0xFFFFF086  }
0x25: {  	[simem:s6], [sflag:s4] =	dma.local [hbm:s3], $0xF7A  }
0x26: {  	[smem:$0x3F92] =	sst s1;
	(tag) =	ssettag s2;
	_ =	strace s9  }
0x27: {  	s1 =	sld [smem:$0x3FA2]  }
0x28: {  	s2 =	sld [smem:$0x3FA3]  }
0x29: {  	s4 =	sld [smem:$0x3FA5]  }
0x2a: {  	p0 =	seq.s32 s5, $0x0;
	s5 =	sld [smem:$0x3FA6]  }
0x2b: {  	s6 =	sld [smem:$0x3FA7]  }
0x2c: {  	s7 =	sld [smem:$0x3FA8]  }
0x2d: {  	s3 =	simm.s32 $0x108;
	s8 =	sld [smem:$0x3FA9]  }
0x2e: {  	s3 =	simm.s32 @!p0 $0x1082;
	s9 =	sld [smem:$0x3FAA]  }
0x2f: {  	lr =	sadd.s32 s0, s3;
	s0 =	sld [smem:$0x3FA1]  }
0x30: {  	s3 =	sld [smem:$0x3FA4]  }
0x31: {  	[smem:$0x3FAD] =	sst s10  }
0x32: {  	s10 =	sld [smem:$0x3FAB];
	_ =	sdelay $0x3  }
0x33: {  	p0 =	seq.s32 s10, $0x1;
	s10 =	sld [smem:$0x3FAD];
	_ =	sdelay $0x3  }
0x34: {  	[smem:$0x3FAD] =	sst s10  }
0x35: {  	s10 =	sld [smem:$0x3FAC];
	_ =	sdelay $0x3  }
0x36: {  	p1 =	seq.s32 s10, $0x1;
	s10 =	sld [smem:$0x3FAD];
	_ =	sdelay $0x3  }
0x37: {  	[smem:$0x3FAD] =	sst s10  }
0x38: {  	s10 =	sld [smem:$0x3FAE]  }
0x39: {  	_ = 	snop;
	(pc) =	sbr.ind lr, $3  }
0x3a: {  	_ = 	snop  }
0x3b: {  	_ = 	snop  }
0x3c: {  	p2 =	seq.s32 s10, $0x1;
	s10 =	sld [smem:$0x3FAD]  }
0x3d: {  	_ =	shalt  }
0x3e: {  	_ =	shalt  }
0x3f: {  	_ =	shalt  }
0x40: {  	_ =	shalt  }
0x41: {  	_ =	shalt  }
0x42: {  	_ =	shalt  }
0x43: {  	_ =	shalt  }
0x44: {  	_ =	shalt  }
0x45: {  	_ =	shalt  }
0x46: {  	_ =	shalt  }
0x47: {  	_ =	shalt  }
0x48: {  	_ =	shalt  }
0x49: {  	_ =	shalt  }
0x4a: {  	_ =	shalt  }
0x4b: {  	_ =	shalt  }
0x4c: {  	_ =	shalt  }
0x4d: {  	_ =	shalt  }
0x4e: {  	_ =	shalt  }
0x4f: {  	_ =	shalt  }
0x50: {  	_ =	shalt  }
0x51: {  	_ =	shalt  }
0x52: {  	_ =	shalt  }
0x53: {  	_ =	shalt  }
0x54: {  	_ =	shalt  }
0x55: {  	_ =	shalt  }
0x56: {  	_ =	shalt  }
0x57: {  	_ =	shalt  }
0x58: {  	_ =	shalt  }
0x59: {  	_ =	shalt  }
0x5a: {  	_ =	shalt  }
0x5b: {  	_ =	shalt  }
0x5c: {  	_ =	shalt  }
0x5d: {  	_ =	shalt  }
0x5e: {  	_ =	shalt  }
0x5f: {  	_ =	shalt  }
0x60: {  	_ =	shalt  }
0x61: {  	_ =	shalt  }
0x62: {  	_ =	shalt  }
0x63: {  	_ =	shalt  }
0x64: {  	_ =	shalt  }
0x65: {  	_ =	shalt  }
0x66: {  	_ =	shalt  }
0x67: {  	_ =	shalt  }
0x68: {  	_ =	shalt  }
0x69: {  	_ =	shalt  }
0x6a: {  	_ =	shalt  }
0x6b: {  	_ =	shalt  }
0x6c: {  	_ =	shalt  }
0x6d: {  	_ =	shalt  }
0x6e: {  	_ =	shalt  }
0x6f: {  	_ =	shalt  }
0x70: {  	_ =	shalt  }
0x71: {  	_ =	shalt  }
0x72: {  	_ =	shalt  }
0x73: {  	_ =	shalt  }
0x74: {  	_ =	shalt  }
0x75: {  	_ =	shalt  }
0x76: {  	_ =	shalt  }
0x77: {  	_ =	shalt  }
0x78: {  	_ =	shalt  }
0x79: {  	_ =	shalt  }
0x7a: {  	_ =	shalt  }
0x7b: {  	_ =	shalt  }
0x7c: {  	_ =	shalt  }
0x7d: {  	_ =	shalt  }
0x7e: {  	_ =	shalt  }
0x7f: {  	_ =	shalt  }
0x80: {  	_ =	shalt  }
0x81: {  	_ =	shalt  }
0x82: {  	_ =	shalt  }
0x83: {  	_ =	shalt  }
0x84: {  	_ =	shalt  }
0x85: {  	_ =	shalt  }
0x86: {  	_ =	shalt  }
0x87: {  	_ =	shalt  }
.Lfunc_end0:
.L_simem_size_0:
called_computation_lowered:
.L_overlay_start_0:
0x88: {  	s2 =	sld [smem:$0x3FD9]  }
0x89: {  	s3 =	sld [smem:$0x3FFE];
	_ =	sdelay $0x1  }
0x8a: {  	s1 =	srdreg.scid  }
0x8b: {  	s0 =	sand.u32 $0x1, s1  }
0x8c: {  	s16 =	sshll.u32 s0, $0xA;
	s2 =	sadd.s32 s3, s2  }
0x8d: {  	s2 =	sadd.s32 s2, s16  }
0x8e: {  	[smem:$0x3FB9] =	sst s2  }
0x8f: {  	_ = 	snop  }
0x90: {  	(tm) =	ssettm $0x1  }
0x91: {  	s17 =	sld [smem:$0x3FFB];
	_ =	sdelay $0x3  }
0x92: {  	_ =	strace s17  }
0x93: {  	s2 =	sld [smem:$0x3FFC];
	_ =	sdelay $0x3  }
0x94: {  	_ =	strace s2  }
0x95: {  	s2 =	sld [smem:$0x3FFD];
	_ =	sdelay $0x3  }
0x96: {  	_ =	strace s2  }
0x97: {  	_ =	strace $0x8FFFFFFF  }
0x98: {  	s18 =	sld [smem:$0x3FDB];
	_ =	sdelay $0x1  }
0x99: {  	s19 =	simm.s32 $_scs_section_size  }
0x9a: {  	s4 =	simm.s32 $_size__tile_overlayer_lowered;
	s5 =	simm.s32 $_tile_overlayer_lowered  }
0x9b: {  	s22 =	simm.s32 $0x1BFF;
	s21 =	sshll.u32 s5, $0x1;
	s2 =	sadd.s32 s19, s18  }
0x9c: {  	s6 =	simm.s32 $0x0;
	s20 =	sshll.u32 s4, $0x1;
	s4 =	sadd.s32 s21, s2  }
0x9d: {  	[timem:s6], [sflag:s22] =	dma.local [hbm:s4], s20  }
0x9e: {  	_ =	swait.ge [sflag:s22], s20  }
0x9f: {  	s3 =	ssub.s32 $0x0, s20;
	[sflag:s22] =	ssyncset.done $0x0  }
0xa0: {  	[sflag:s22] =	ssyncadd.s32 s3;
	_ =	sdelay $0x1  }
0xa1: {  	s23 =	simm.s32 $0x1B8B  }
0xa2: {  	_ =	swait.ge [sflag:s23], $0x1  }
0xa3: {  	[sflag:s23] =	ssyncset.done $0x0  }
0xa4: {  	s25 =	simm.s32 $0x1B8E;
	s24 =	sld [smem:$0x3FFE];
	[sflag:s23] =	ssyncadd.s32 $0xFFFFFFFF  }
0xa5: {  	s26 =	simm.s32 $execute0_lowered;
	[smem:$0x3FD2] =	sst s25  }
0xa6: {  	s4 =	sshll.u32 s26, $0x1;
	_ =	strace $0x80000046;
	[dreg:$0x1] =	wrdreg $0xFFFFFFFF  }
0xa7: {  	s28 =	simm.s32 $_size_execute0_lowered;
	s2 =	sadd.s32 s2, s4;
	[dreg:$0x0] =	wrdreg $0x0  }
0xa8: {  	s4 =	sshll.u32 s28, $0x1;
	[dreg:$0x2] =	wrdreg s2  }
0xa9: {  	[dreg:$0x3] =	wrdreg s4  }
0xaa: {  	[dreg:$0x4] =	wrdreg $0xC0  }
0xab: {  	_ =	task [dreg:s6], $0x5FFFF  }
0xac: {  	[dreg:$0x1] =	wrdreg $0xFFFFFFFF  }
0xad: {  	[dreg:$0x0] =	wrdreg $0x60  }
0xae: {  	[dreg:$0x2] =	wrdreg s24  }
0xaf: {  	[dreg:$0x3] =	wrdreg $0x9  }
0xb0: {  	_ =	task.clear_ibuf [dreg:s6], $0x4FFFF;
	_ =	strace $0x90000046  }
0xb1: {  	s29 =	simm.s32 $0x9;
	_ =	strace $0x80000048  }
0xb2: {  	_ =	swait.ge [sflag:s29], $0x1  }
0xb3: {  	[sflag:s29] =	ssyncadd.s32 $0xFFFFFFFF  }
0xb4: {  	_ =	strace $0x90000048  }
0xb5: {  	_ =	sfence  }
0xb6: {  	s30 =	sld [smem:$0x0];
	_ =	sdelay $0x2  }
0xb7: {  	s31 =	sshll.u32 s1, $0xD;
	s1 =	sshrl.u32 s1, $0x2  }
0xb8: {  	s3 =	sand.u32 $0x4000, s31;
	s1 =	sadd.s32 s1, s30  }
0xb9: {  	s0 =	sor.u32 s3, s0;
	s1 =	sshll.u32 s1, $0x11  }
0xba: {  	s0 =	sor.u32 s1, s0  }
0xbb: {  	s0 =	sadd.s32 $0x8F2B, s0  }
0xbc: {  	[sflag:s0] =	ssyncadd.remote.s32 $0x1  }
0xbd: {  	_ =	sfence.sel $0xFFFF  }
0xbe: {  	[dreg:$0x0] =	wrdreg $0xFFFFFFFF;
	(pc) =	sbr.abs _section_cstart, $3  }
0xbf: {  	[dreg:$0x1] =	wrdreg $0xFFFFFFFF  }
0xc0: {  	_ =	task.clear_ibuf [dreg:s6], $0x2FFFF;
	_ =	strace $0x9FFFFFFF  }
0xc1: {  	(tm) =	ssettm $0x7FFFFFFF  }
tec
execute0_lowered:
.L_overlay_start_1:
0x0: {  	(tag) =	ssettag $0x1  }
0x1: {  	s4 =	rddreg [dreg:$0x0]  }
0x2: {  	s0 =	rddreg [dreg:$0x1]  }
0x3: {  	s2 =	simm.s32 $0x0;
	s3 =	srdreg.scid;
	s1 =	stileid.u32  }
0x4: {  	s9 =	simm.s32 $0x2800;
	s10 =	simm.s32 $0x3800;
	s11 =	simm.s32 $0x1  }
0x5: {  	s12 =	simm.s32 $0x2;
	s13 =	simm.s32 $0x80;
	s14 =	simm.s32 $0x0  }
0x6: {  	s3 =	sand.u32 $0x1, s3;
	s5 =	sshll.u32 s1, $0x1;
	s6 =	smul.u32 $0x140000, s1  }
0x7: {  	[smem:$0x7FF] =	sst s2;
	s5 =	sor.u32 s3, s5;
	s7 =	smul.u32 $0xA0000, s3  }
0x8: {  	_ =	strace $0x80000047;
	s8 =	ssub.s32 $0x2, s3;
	s5 =	smul.u32 $0x500, s5  }
0x9: {  	s3 =	sadd.s32 $0x58400, s4;
	s31 =	sshrl.u32 s8, $0x1;
	s6 =	sadd.s32 s7, s6  }
0xa: {  	s7 =	ssub.s32 s8, s31;
	s5 =	sadd.s32 s5, s4;
	s6 =	sshrl.u32 s6, $0x3  }
0xb: {  	s8 =	simm.s32 $0x40;
	s6 =	sadd.s32 s6, s4;
	s4 =	sadd.s32 $0x6BE00, s5  }
0xc: {  	s5 =	smax.u32 s7, $0x1;
	s7 =	simm.s32 $0x3;
	s6 =	sadd.s32 $0x75E08, s6  }
.LBB2_1:
0xd: {  	[tilespmem:s2], [sflag:$0x3] =	stream.linear.gather [hbm4b:s4+s2], $0x2800, $0x38;
	[tilespmem:$0x4800] =	vst v63  }
0xe: {  	_ =	swait.ge [sflag:s7], $0x2800  }
0xf: {  	[sflag:s7] =	ssyncset.done $0x0  }
0x10: {  	s15 =	simm.s32 $0x0;
	[sflag:s7] =	ssyncadd.s32 $0xFFFFD800  }
0x11: {  	[tilespmem:s9], [sflag:$0x1] =	stream.indirect.gather [hbm4b:s3+s8], $0x40, s15, s8, $0xb8;
	[tilespmem:$0x4800] =	vst v63  }
0x12: {  	s30 =	simm.s32 $0x40  }
0x13: {  	[tilespmem:s10], [sflag:$0x2] =	stream.indirect.gather [hbm4b:s3+s8], $0x40, s30, s8, $0xb8;
	[tilespmem:$0x4800] =	vst v63  }
0x14: {  	_ =	swait.ge [sflag:s11], $0x1000  }
0x15: {  	[sflag:s11] =	ssyncset.done $0x0  }
0x16: {  	[sflag:s11] =	ssyncadd.s32 $0xFFFFF000  }
0x17: {  	_ =	swait.ge [sflag:s12], $0x1000  }
0x18: {  	[sflag:s12] =	ssyncset.done $0x0  }
0x19: {  	s31 =	sadd.s32 $0xFFFFFFF8, s6;
	[sflag:s12] =	ssyncadd.s32 $0xFFFFF000  }
0x1a: {  	[hbm4b:s31+s8] =	stream.strided.scatter [tilespmem:s9], [sflag:$0x3], $0x1000, s13, s8, $0x38;
	[tilespmem:$0x4800] =	vst v63  }
0x1b: {  	_ =	swait.ge [sflag:s7], $0x1000  }
0x1c: {  	[sflag:s7] =	ssyncset.done $0x0  }
0x1d: {  	[sflag:s7] =	ssyncadd.s32 $0xFFFFF000  }
0x1e: {  	[hbm4b:s6+s8] =	stream.strided.scatter [tilespmem:s10], [sflag:$0x3], $0x1000, s13, s8, $0x38;
	[tilespmem:$0x4800] =	vst v63  }
0x1f: {  	s16 =	simm.s32 $0x200;
	_ =	swait.ge [sflag:s7], $0x1000  }
0x20: {  	s17 =	simm.s32 $0x400;
	s15 =	sadd.s32 $0x400, s6;
	[sflag:s7] =	ssyncset.done $0x0  }
.LBB2_2:
0x21: {  	s18 =	sshra.s32 s16, $0x2  }
0x22: {  	[sflag:s7] =	ssyncadd.s32 $0xFFFFF000;
	s16 =	smov.u32 s17;
	s19 =	sadd.s32 $0x200, s17  }
0x23: {  	[tilespmem:s9], [sflag:$0x1] =	stream.indirect.gather [hbm4b:s3+s8], $0x40, s18, s8, $0xb8;
	[tilespmem:$0x4800] =	vst v63  }
0x24: {  	p0 =	sne.s32 s17, $0x9E00;
	s17 =	sadd.s32 $0x40, s18  }
0x25: {  	[tilespmem:s10], [sflag:$0x2] =	stream.indirect.gather [hbm4b:s3+s8], $0x40, s17, s8, $0xb8;
	[tilespmem:$0x4800] =	vst v63  }
0x26: {  	_ =	swait.ge [sflag:s11], $0x1000  }
0x27: {  	[sflag:s11] =	ssyncset.done $0x0  }
0x28: {  	[sflag:s11] =	ssyncadd.s32 $0xFFFFF000  }
0x29: {  	_ =	swait.ge [sflag:s12], $0x1000  }
0x2a: {  	[sflag:s12] =	ssyncset.done $0x0  }
0x2b: {  	s17 =	sadd.s32 $0xFFFFFFF8, s15;
	[sflag:s12] =	ssyncadd.s32 $0xFFFFF000  }
0x2c: {  	[hbm4b:s17+s8] =	stream.strided.scatter [tilespmem:s9], [sflag:$0x3], $0x1000, s13, s8, $0x38;
	[tilespmem:$0x4800] =	vst v63  }
0x2d: {  	_ =	swait.ge [sflag:s7], $0x1000  }
.Ltmp0:
0x2e: {  	[sflag:s7] =	ssyncset.done $0x0;
	(pc) =	sbr.rel @p0 .LBB2_2-.Ltmp0, $4  }
0x2f: {  	[sflag:s7] =	ssyncadd.s32 $0xFFFFF000  }
0x30: {  	[hbm4b:s15+s8] =	stream.strided.scatter [tilespmem:s10], [sflag:$0x3], $0x1000, s13, s8, $0x38;
	[tilespmem:$0x4800] =	vst v63  }
0x31: {  	_ =	swait.ge [sflag:s7], $0x1000  }
0x32: {  	s17 =	smov.u32 s19;
	s15 =	sadd.s32 $0x400, s15;
	[sflag:s7] =	ssyncset.done $0x0  }
0x33: {  	s16 =	sshra.s32 s16, $0x2;
	[sflag:s7] =	ssyncadd.s32 $0xFFFFF000  }
0x34: {  	[tilespmem:s9], [sflag:$0x1] =	stream.indirect.gather [hbm4b:s3+s8], $0x40, s16, s8, $0xb8;
	[tilespmem:$0x4800] =	vst v63  }
0x35: {  	s16 =	sadd.s32 $0x40, s16  }
0x36: {  	[tilespmem:s10], [sflag:$0x2] =	stream.indirect.gather [hbm4b:s3+s8], $0x40, s16, s8, $0xb8;
	[tilespmem:$0x4800] =	vst v63  }
0x37: {  	_ =	swait.ge [sflag:s11], $0x1000  }
0x38: {  	[sflag:s11] =	ssyncset.done $0x0  }
0x39: {  	[sflag:s11] =	ssyncadd.s32 $0xFFFFF000  }
0x3a: {  	_ =	swait.ge [sflag:s12], $0x1000  }
0x3b: {  	[sflag:s12] =	ssyncset.done $0x0  }
0x3c: {  	s31 =	sadd.s32 $0xFFFFFFF8, s15;
	[sflag:s12] =	ssyncadd.s32 $0xFFFFF000  }
0x3d: {  	[hbm4b:s31+s8] =	stream.strided.scatter [tilespmem:s9], [sflag:$0x3], $0x1000, s13, s8, $0x38;
	[tilespmem:$0x4800] =	vst v63  }
0x3e: {  	s14 =	sadd.s32 $0x1, s14;
	_ =	swait.ge [sflag:s7], $0x1000  }
0x3f: {  	p0 =	sne.s32 s14, s5;
	[sflag:s7] =	ssyncset.done $0x0  }
.Ltmp1:
0x40: {  	[sflag:s7] =	ssyncadd.s32 $0xFFFFF000;
	(pc) =	sbr.rel @p0 .LBB2_1-.Ltmp1, $4  }
0x41: {  	[hbm4b:s15+s8] =	stream.strided.scatter [tilespmem:s10], [sflag:$0x3], $0x1000, s13, s8, $0x38;
	[tilespmem:$0x4800] =	vst v63  }
0x42: {  	_ =	swait.ge [sflag:s7], $0x1000  }
0x43: {  	[sflag:s7] =	ssyncset.done $0x0  }
0x44: {  	[sflag:s7] =	ssyncadd.s32 $0xFFFFF000  }
0x45: {  	_ =	sfence.sel $0x180000  }
0x46: {  	[bflag:$0x0] =	sbarrier.arrive $0xFFFF  }
0x47: {  	p0 =	sne.s32 s1, $0x0;
	_ =	strace $0x90000047  }
0x48: {  	s0 =	sadd.s32 @!p0 $0x100000, s0;
	[bflag:$0x2] =	sbarrier.arrive $0xFFFF  }
0x49: {  	[sflag:s0] =	ssyncadd.tile.s32 @!p0 $0x1;
	_ =	shalt  }
.Lfunc_end2:
_tile_overlayer_lowered:
.L_overlay_start_2:
0x4a: {  	(tag) =	ssettag $0x2  }
0x4b: {  	s0 =	rddreg [dreg:$0x0];
	s2 =	stileid.u32  }
0x4c: {  	s1 =	rddreg [dreg:$0x1];
	p0 =	sne.s32 s2, $0x0  }
0x4d: {  	s3 =	rddreg [dreg:$0x2];
	[bflag:$0x3] =	sbarrier.arrive $0xFFFF;
	s2 =	simm.s32 @!p0 $0x1C03  }
0x4e: {  	[timem:s3], [sflag:s2] =	dma.local @!p0 [hbm:s0], s1  }
0x4f: {  	s0 =	simm.s32 @!p0 $0x3  }
0x50: {  	_ =	swait.ge @!p0 [sflag:s0], s1  }
0x51: {  	s1 =	ssub.s32 @!p0 $0x0, s1;
	[sflag:s0] =	ssyncset.done @!p0 $0x0  }
0x52: {  	[sflag:s0] =	ssyncadd.s32 @!p0 s1  }
0x53: {  	[bflag:$0x3] =	sbarrier.arrive $0xFFFF  }
0x54: {  	_ =	shalt  }

// kernel: kernel.19.cloned.1.call-start
scs
__scs_entry_jumppad:
0x0: {  	(pc) =	sbr.rel $0x88, $3  }
0x1: {  	(tag) =	ssettag $0x0;
	lr =	simm.s32 $0x1  }
0x2: {  	[smem:$0x3F92] =	sst lr;
	_ =	strace $0xD0000000  }
0x3: {  	_ = 	snop  }
0x4: {  	_ = 	snop  }
0x5: {  	_ = 	snop  }
0x6: {  	_ = 	snop  }
0x7: {  	_ = 	snop  }
__scs_overlays_trampoline_lowered:
0x8: {  	[smem:$0x3FA1] =	sst s0  }
0x9: {  	[smem:$0x3FA2] =	sst s1  }
0xa: {  	[smem:$0x3FA3] =	sst s2  }
0xb: {  	[smem:$0x3FA4] =	sst s3  }
0xc: {  	[smem:$0x3FA5] =	sst s4  }
0xd: {  	[smem:$0x3FA6] =	sst s5  }
0xe: {  	[smem:$0x3FA7] =	sst s6  }
0xf: {  	[smem:$0x3FA8] =	sst s7  }
0x10: {  	[smem:$0x3FA9] =	sst s8  }
0x11: {  	[smem:$0x3FAA] =	sst s9;
	s0 =	simm.s32 @!p0 $0x0  }
0x12: {  	s1 =	sld [smem:$0x3F90];
	s0 =	simm.s32 @p0 $0x1  }
0x13: {  	[smem:$0x3FAB] =	sst s0;
	s0 =	simm.s32 @!p1 $0x0  }
0x14: {  	s2 =	sld [smem:$0x3F8F];
	s0 =	simm.s32 @p1 $0x1  }
0x15: {  	[smem:$0x3FAC] =	sst s0;
	s0 =	simm.s32 @!p2 $0x0  }
0x16: {  	s3 =	sld [smem:$0x3FDB];
	s0 =	simm.s32 @p2 $0x1  }
0x17: {  	s4 =	simm.s32 $0x1BF5;
	[smem:$0x3FAE] =	sst s0  }
0x18: {  	s0 =	sld [smem:$0x3F91];
	_ =	swait.ge [sflag:s4], $0x0  }
0x19: {  	s7 =	sld [smem:$0x3F92]  }
0x1a: {  	s8 =	sadd.s32 $0xFFFFE003, lr  }
0x1b: {  	s9 =	sadd.s32 $0xFFFFFEF7, lr;
	s5 =	simm.s32 $0xFFFFFFFF;
	p2 =	slt.u32 s8, $0xFFFFF086  }
0x1c: {  	p1 =	slt.u32 s9, $0xF7A;
	s5 =	simm.s32 @!p2 $0x0  }
0x1d: {  	s5 =	simm.s32 @p1 $0x1;
	p0 =	seq.s32 s7, s2  }
0x1e: {  	s7 =	smul.u32 @!p0 $0xF7A, s2;
	p2 =	seq.s32 @!p0 s5, $0x0  }
0x1f: {  	s9 =	smul.u32 $0xF7A, s1;
	s8 =	simm.s32 @!p0 $0x1BF5;
	p2 =	por !p2, p0  }
0x20: {  	[sflag:s8] =	ssyncset.s32 @!p0 $0xFFFFF086;
	s6 =	sadd.s32 @!p0 s3, s7;
	s7 =	simm.s32 @!p0 $0x108  }
0x21: {  	s3 =	sadd.s32 s3, s9;
	s6 =	sadd.s32 @!p0 $0x88, s6;
	s7 =	simm.s32 @p2 $0x1082  }
0x22: {  	[simem:s7], [sflag:s8] =	dma.local @!p0 [hbm:s6], $0xF7A  }
0x23: {  	s9 =	sor.u32 $0xD0000000, s2;
	s6 =	simm.s32 $0x108;
	_ =	swait.ge @!p0 [sflag:s8], $0x0  }
0x24: {  	s3 =	sadd.s32 $0x88, s3;
	s6 =	simm.s32 @!p1 $0x1082;
	[sflag:s4] =	ssyncset.s32 $0xFFFFF086  }
0x25: {  	[simem:s6], [sflag:s4] =	dma.local [hbm:s3], $0xF7A  }
0x26: {  	[smem:$0x3F92] =	sst s1;
	(tag) =	ssettag s2;
	_ =	strace s9  }
0x27: {  	s1 =	sld [smem:$0x3FA2]  }
0x28: {  	s2 =	sld [smem:$0x3FA3]  }
0x29: {  	s4 =	sld [smem:$0x3FA5]  }
0x2a: {  	p0 =	seq.s32 s5, $0x0;
	s5 =	sld [smem:$0x3FA6]  }
0x2b: {  	s6 =	sld [smem:$0x3FA7]  }
0x2c: {  	s7 =	sld [smem:$0x3FA8]  }
0x2d: {  	s3 =	simm.s32 $0x108;
	s8 =	sld [smem:$0x3FA9]  }
0x2e: {  	s3 =	simm.s32 @!p0 $0x1082;
	s9 =	sld [smem:$0x3FAA]  }
0x2f: {  	lr =	sadd.s32 s0, s3;
	s0 =	sld [smem:$0x3FA1]  }
0x30: {  	s3 =	sld [smem:$0x3FA4]  }
0x31: {  	[smem:$0x3FAD] =	sst s10  }
0x32: {  	s10 =	sld [smem:$0x3FAB];
	_ =	sdelay $0x3  }
0x33: {  	p0 =	seq.s32 s10, $0x1;
	s10 =	sld [smem:$0x3FAD];
	_ =	sdelay $0x3  }
0x34: {  	[smem:$0x3FAD] =	sst s10  }
0x35: {  	s10 =	sld [smem:$0x3FAC];
	_ =	sdelay $0x3  }
0x36: {  	p1 =	seq.s32 s10, $0x1;
	s10 =	sld [smem:$0x3FAD];
	_ =	sdelay $0x3  }
0x37: {  	[smem:$0x3FAD] =	sst s10  }
0x38: {  	s10 =	sld [smem:$0x3FAE]  }
0x39: {  	_ = 	snop;
	(pc) =	sbr.ind lr, $3  }
0x3a: {  	_ = 	snop  }
0x3b: {  	_ = 	snop  }
0x3c: {  	p2 =	seq.s32 s10, $0x1;
	s10 =	sld [smem:$0x3FAD]  }
0x3d: {  	_ =	shalt  }
0x3e: {  	_ =	shalt  }
0x3f: {  	_ =	shalt  }
0x40: {  	_ =	shalt  }
0x41: {  	_ =	shalt  }
0x42: {  	_ =	shalt  }
0x43: {  	_ =	shalt  }
0x44: {  	_ =	shalt  }
0x45: {  	_ =	shalt  }
0x46: {  	_ =	shalt  }
0x47: {  	_ =	shalt  }
0x48: {  	_ =	shalt  }
0x49: {  	_ =	shalt  }
0x4a: {  	_ =	shalt  }
0x4b: {  	_ =	shalt  }
0x4c: {  	_ =	shalt  }
0x4d: {  	_ =	shalt  }
0x4e: {  	_ =	shalt  }
0x4f: {  	_ =	shalt  }
0x50: {  	_ =	shalt  }
0x51: {  	_ =	shalt  }
0x52: {  	_ =	shalt  }
0x53: {  	_ =	shalt  }
0x54: {  	_ =	shalt  }
0x55: {  	_ =	shalt  }
0x56: {  	_ =	shalt  }
0x57: {  	_ =	shalt  }
0x58: {  	_ =	shalt  }
0x59: {  	_ =	shalt  }
0x5a: {  	_ =	shalt  }
0x5b: {  	_ =	shalt  }
0x5c: {  	_ =	shalt  }
0x5d: {  	_ =	shalt  }
0x5e: {  	_ =	shalt  }
0x5f: {  	_ =	shalt  }
0x60: {  	_ =	shalt  }
0x61: {  	_ =	shalt  }
0x62: {  	_ =	shalt  }
0x63: {  	_ =	shalt  }
0x64: {  	_ =	shalt  }
0x65: {  	_ =	shalt  }
0x66: {  	_ =	shalt  }
0x67: {  	_ =	shalt  }
0x68: {  	_ =	shalt  }
0x69: {  	_ =	shalt  }
0x6a: {  	_ =	shalt  }
0x6b: {  	_ =	shalt  }
0x6c: {  	_ =	shalt  }
0x6d: {  	_ =	shalt  }
0x6e: {  	_ =	shalt  }
0x6f: {  	_ =	shalt  }
0x70: {  	_ =	shalt  }
0x71: {  	_ =	shalt  }
0x72: {  	_ =	shalt  }
0x73: {  	_ =	shalt  }
0x74: {  	_ =	shalt  }
0x75: {  	_ =	shalt  }
0x76: {  	_ =	shalt  }
0x77: {  	_ =	shalt  }
0x78: {  	_ =	shalt  }
0x79: {  	_ =	shalt  }
0x7a: {  	_ =	shalt  }
0x7b: {  	_ =	shalt  }
0x7c: {  	_ =	shalt  }
0x7d: {  	_ =	shalt  }
0x7e: {  	_ =	shalt  }
0x7f: {  	_ =	shalt  }
0x80: {  	_ =	shalt  }
0x81: {  	_ =	shalt  }
0x82: {  	_ =	shalt  }
0x83: {  	_ =	shalt  }
0x84: {  	_ =	shalt  }
0x85: {  	_ =	shalt  }
0x86: {  	_ =	shalt  }
0x87: {  	_ =	shalt  }
.Lfunc_end0:
.L_simem_size_0:
called_computation.1_lowered:
.L_overlay_start_0:
0x88: {  	s2 =	sld [smem:$0x3FD9]  }
0x89: {  	s3 =	sld [smem:$0x3FFE];
	_ =	sdelay $0x1  }
0x8a: {  	s1 =	srdreg.scid  }
0x8b: {  	s0 =	sand.u32 $0x1, s1  }
0x8c: {  	s16 =	sshll.u32 s0, $0xA;
	s2 =	sadd.s32 s3, s2  }
0x8d: {  	s2 =	sadd.s32 s2, s16  }
0x8e: {  	[smem:$0x3FB9] =	sst s2  }
0x8f: {  	_ = 	snop  }
0x90: {  	(tm) =	ssettm $0x1  }
0x91: {  	s17 =	sld [smem:$0x3FFB];
	_ =	sdelay $0x3  }
0x92: {  	_ =	strace s17  }
0x93: {  	s2 =	sld [smem:$0x3FFC];
	_ =	sdelay $0x3  }
0x94: {  	_ =	strace s2  }
0x95: {  	s2 =	sld [smem:$0x3FFD];
	_ =	sdelay $0x3  }
0x96: {  	_ =	strace s2  }
0x97: {  	_ =	strace $0x8FFFFFFF  }
0x98: {  	s18 =	sld [smem:$0x3FDB];
	_ =	sdelay $0x1  }
0x99: {  	s19 =	simm.s32 $_scs_section_size  }
0x9a: {  	s4 =	simm.s32 $_size__tile_overlayer_lowered;
	s5 =	simm.s32 $_tile_overlayer_lowered  }
0x9b: {  	s22 =	simm.s32 $0x1BFF;
	s21 =	sshll.u32 s5, $0x1;
	s2 =	sadd.s32 s19, s18  }
0x9c: {  	s6 =	simm.s32 $0x0;
	s20 =	sshll.u32 s4, $0x1;
	s4 =	sadd.s32 s21, s2  }
0x9d: {  	[timem:s6], [sflag:s22] =	dma.local [hbm:s4], s20  }
0x9e: {  	_ =	swait.ge [sflag:s22], s20  }
0x9f: {  	s3 =	ssub.s32 $0x0, s20;
	[sflag:s22] =	ssyncset.done $0x0  }
0xa0: {  	[sflag:s22] =	ssyncadd.s32 s3;
	_ =	sdelay $0x1  }
0xa1: {  	s23 =	simm.s32 $0x1B8B  }
0xa2: {  	_ =	swait.ge [sflag:s23], $0x1  }
0xa3: {  	[sflag:s23] =	ssyncset.done $0x0  }
0xa4: {  	s25 =	simm.s32 $0x1B8E;
	s24 =	sld [smem:$0x3FFE];
	[sflag:s23] =	ssyncadd.s32 $0xFFFFFFFF  }
0xa5: {  	s26 =	simm.s32 $execute0_lowered;
	[smem:$0x3FD2] =	sst s25  }
0xa6: {  	s4 =	sshll.u32 s26, $0x1;
	_ =	strace $0x80000049;
	[dreg:$0x1] =	wrdreg $0xFFFFFFFF  }
0xa7: {  	s28 =	simm.s32 $_size_execute0_lowered;
	s2 =	sadd.s32 s2, s4;
	[dreg:$0x0] =	wrdreg $0x0  }
0xa8: {  	s4 =	sshll.u32 s28, $0x1;
	[dreg:$0x2] =	wrdreg s2  }
0xa9: {  	[dreg:$0x3] =	wrdreg s4  }
0xaa: {  	[dreg:$0x4] =	wrdreg $0xC0  }
0xab: {  	_ =	task [dreg:s6], $0x5FFFF  }
0xac: {  	[dreg:$0x1] =	wrdreg $0xFFFFFFFF  }
0xad: {  	[dreg:$0x0] =	wrdreg $0x60  }
0xae: {  	[dreg:$0x2] =	wrdreg s24  }
0xaf: {  	[dreg:$0x3] =	wrdreg $0x9  }
0xb0: {  	_ =	task.clear_ibuf [dreg:s6], $0x4FFFF;
	_ =	strace $0x90000049  }
0xb1: {  	s29 =	simm.s32 $0x9;
	_ =	strace $0x8000004B  }
0xb2: {  	_ =	swait.ge [sflag:s29], $0x1  }
0xb3: {  	[sflag:s29] =	ssyncadd.s32 $0xFFFFFFFF  }
0xb4: {  	_ =	strace $0x9000004B  }
0xb5: {  	_ =	sfence  }
0xb6: {  	s30 =	sld [smem:$0x0];
	_ =	sdelay $0x2  }
0xb7: {  	s31 =	sshll.u32 s1, $0xD;
	s1 =	sshrl.u32 s1, $0x2  }
0xb8: {  	s3 =	sand.u32 $0x4000, s31;
	s1 =	sadd.s32 s1, s30  }
0xb9: {  	s0 =	sor.u32 s3, s0;
	s1 =	sshll.u32 s1, $0x11  }
0xba: {  	s0 =	sor.u32 s1, s0  }
0xbb: {  	s0 =	sadd.s32 $0x8F2B, s0  }
0xbc: {  	[sflag:s0] =	ssyncadd.remote.s32 $0x1  }
0xbd: {  	_ =	sfence.sel $0xFFFF  }
0xbe: {  	[dreg:$0x0] =	wrdreg $0xFFFFFFFF;
	(pc) =	sbr.abs _section_cstart, $3  }
0xbf: {  	[dreg:$0x1] =	wrdreg $0xFFFFFFFF  }
0xc0: {  	_ =	task.clear_ibuf [dreg:s6], $0x2FFFF;
	_ =	strace $0x9FFFFFFF  }
0xc1: {  	(tm) =	ssettm $0x7FFFFFFF  }
tec
execute0_lowered:
.L_overlay_start_1:
0x0: {  	(tag) =	ssettag $0x1  }
0x1: {  	s4 =	rddreg [dreg:$0x0]  }
0x2: {  	s0 =	rddreg [dreg:$0x1]  }
0x3: {  	s2 =	simm.s32 $0x0;
	s3 =	srdreg.scid;
	s1 =	stileid.u32  }
0x4: {  	s9 =	simm.s32 $0x2800;
	s10 =	simm.s32 $0x3800;
	s11 =	simm.s32 $0x1  }
0x5: {  	s12 =	simm.s32 $0x2;
	s13 =	simm.s32 $0x80;
	s14 =	simm.s32 $0x0  }
0x6: {  	s3 =	sand.u32 $0x1, s3;
	s5 =	sshll.u32 s1, $0x1;
	s6 =	smul.u32 $0x140000, s1  }
0x7: {  	[smem:$0x7FF] =	sst s2;
	s5 =	sor.u32 s3, s5;
	s7 =	smul.u32 $0xA0000, s3  }
0x8: {  	_ =	strace $0x8000004A;
	s8 =	ssub.s32 $0x2, s3;
	s5 =	smul.u32 $0x500, s5  }
0x9: {  	s3 =	sadd.s32 $0x31200, s4;
	s31 =	sshrl.u32 s8, $0x1;
	s6 =	sadd.s32 s7, s6  }
0xa: {  	s7 =	ssub.s32 s8, s31;
	s5 =	sadd.s32 s5, s4;
	s6 =	sshrl.u32 s6, $0x3  }
0xb: {  	s8 =	simm.s32 $0x40;
	s6 =	sadd.s32 s6, s4;
	s4 =	sadd.s32 $0x6BE00, s5  }
0xc: {  	s5 =	smax.u32 s7, $0x1;
	s7 =	simm.s32 $0x3;
	s6 =	sadd.s32 $0x75E08, s6  }
.LBB2_1:
0xd: {  	[tilespmem:s2], [sflag:$0x3] =	stream.linear.gather [hbm4b:s4+s2], $0x2800, $0x38;
	[tilespmem:$0x4800] =	vst v63  }
0xe: {  	_ =	swait.ge [sflag:s7], $0x2800  }
0xf: {  	[sflag:s7] =	ssyncset.done $0x0  }
0x10: {  	s15 =	simm.s32 $0x0;
	[sflag:s7] =	ssyncadd.s32 $0xFFFFD800  }
0x11: {  	[tilespmem:s9], [sflag:$0x1] =	stream.indirect.gather [hbm4b:s3+s8], $0x40, s15, s8, $0xb8;
	[tilespmem:$0x4800] =	vst v63  }
0x12: {  	s30 =	simm.s32 $0x40  }
0x13: {  	[tilespmem:s10], [sflag:$0x2] =	stream.indirect.gather [hbm4b:s3+s8], $0x40, s30, s8, $0xb8;
	[tilespmem:$0x4800] =	vst v63  }
0x14: {  	_ =	swait.ge [sflag:s11], $0x1000  }
0x15: {  	[sflag:s11] =	ssyncset.done $0x0  }
0x16: {  	[sflag:s11] =	ssyncadd.s32 $0xFFFFF000  }
0x17: {  	_ =	swait.ge [sflag:s12], $0x1000  }
0x18: {  	[sflag:s12] =	ssyncset.done $0x0  }
0x19: {  	s31 =	sadd.s32 $0xFFFFFFF8, s6;
	[sflag:s12] =	ssyncadd.s32 $0xFFFFF000  }
0x1a: {  	[hbm4b:s31+s8] =	stream.strided.scatter [tilespmem:s9], [sflag:$0x3], $0x1000, s13, s8, $0x38;
	[tilespmem:$0x4800] =	vst v63  }
0x1b: {  	_ =	swait.ge [sflag:s7], $0x1000  }
0x1c: {  	[sflag:s7] =	ssyncset.done $0x0  }
0x1d: {  	[sflag:s7] =	ssyncadd.s32 $0xFFFFF000  }
0x1e: {  	[hbm4b:s6+s8] =	stream.strided.scatter [tilespmem:s10], [sflag:$0x3], $0x1000, s13, s8, $0x38;
	[tilespmem:$0x4800] =	vst v63  }
0x1f: {  	s16 =	simm.s32 $0x200;
	_ =	swait.ge [sflag:s7], $0x1000  }
0x20: {  	s17 =	simm.s32 $0x400;
	s15 =	sadd.s32 $0x400, s6;
	[sflag:s7] =	ssyncset.done $0x0  }
.LBB2_2:
0x21: {  	s18 =	sshra.s32 s16, $0x2  }
0x22: {  	[sflag:s7] =	ssyncadd.s32 $0xFFFFF000;
	s16 =	smov.u32 s17;
	s19 =	sadd.s32 $0x200, s17  }
0x23: {  	[tilespmem:s9], [sflag:$0x1] =	stream.indirect.gather [hbm4b:s3+s8], $0x40, s18, s8, $0xb8;
	[tilespmem:$0x4800] =	vst v63  }
0x24: {  	p0 =	sne.s32 s17, $0x9E00;
	s17 =	sadd.s32 $0x40, s18  }
0x25: {  	[tilespmem:s10], [sflag:$0x2] =	stream.indirect.gather [hbm4b:s3+s8], $0x40, s17, s8, $0xb8;
	[tilespmem:$0x4800] =	vst v63  }
0x26: {  	_ =	swait.ge [sflag:s11], $0x1000  }
0x27: {  	[sflag:s11] =	ssyncset.done $0x0  }
0x28: {  	[sflag:s11] =	ssyncadd.s32 $0xFFFFF000  }
0x29: {  	_ =	swait.ge [sflag:s12], $0x1000  }
0x2a: {  	[sflag:s12] =	ssyncset.done $0x0  }
0x2b: {  	s17 =	sadd.s32 $0xFFFFFFF8, s15;
	[sflag:s12] =	ssyncadd.s32 $0xFFFFF000  }
0x2c: {  	[hbm4b:s17+s8] =	stream.strided.scatter [tilespmem:s9], [sflag:$0x3], $0x1000, s13, s8, $0x38;
	[tilespmem:$0x4800] =	vst v63  }
0x2d: {  	_ =	swait.ge [sflag:s7], $0x1000  }
.Ltmp0:
0x2e: {  	[sflag:s7] =	ssyncset.done $0x0;
	(pc) =	sbr.rel @p0 .LBB2_2-.Ltmp0, $4  }
0x2f: {  	[sflag:s7] =	ssyncadd.s32 $0xFFFFF000  }
0x30: {  	[hbm4b:s15+s8] =	stream.strided.scatter [tilespmem:s10], [sflag:$0x3], $0x1000, s13, s8, $0x38;
	[tilespmem:$0x4800] =	vst v63  }
0x31: {  	_ =	swait.ge [sflag:s7], $0x1000  }
0x32: {  	s17 =	smov.u32 s19;
	s15 =	sadd.s32 $0x400, s15;
	[sflag:s7] =	ssyncset.done $0x0  }
0x33: {  	s16 =	sshra.s32 s16, $0x2;
	[sflag:s7] =	ssyncadd.s32 $0xFFFFF000  }
0x34: {  	[tilespmem:s9], [sflag:$0x1] =	stream.indirect.gather [hbm4b:s3+s8], $0x40, s16, s8, $0xb8;
	[tilespmem:$0x4800] =	vst v63  }
0x35: {  	s16 =	sadd.s32 $0x40, s16  }
0x36: {  	[tilespmem:s10], [sflag:$0x2] =	stream.indirect.gather [hbm4b:s3+s8], $0x40, s16, s8, $0xb8;
	[tilespmem:$0x4800] =	vst v63  }
0x37: {  	_ =	swait.ge [sflag:s11], $0x1000  }
0x38: {  	[sflag:s11] =	ssyncset.done $0x0  }
0x39: {  	[sflag:s11] =	ssyncadd.s32 $0xFFFFF000  }
0x3a: {  	_ =	swait.ge [sflag:s12], $0x1000  }
0x3b: {  	[sflag:s12] =	ssyncset.done $0x0  }
0x3c: {  	s31 =	sadd.s32 $0xFFFFFFF8, s15;
	[sflag:s12] =	ssyncadd.s32 $0xFFFFF000  }
0x3d: {  	[hbm4b:s31+s8] =	stream.strided.scatter [tilespmem:s9], [sflag:$0x3], $0x1000, s13, s8, $0x38;
	[tilespmem:$0x4800] =	vst v63  }
0x3e: {  	s14 =	sadd.s32 $0x1, s14;
	_ =	swait.ge [sflag:s7], $0x1000  }
0x3f: {  	p0 =	sne.s32 s14, s5;
	[sflag:s7] =	ssyncset.done $0x0  }
.Ltmp1:
0x40: {  	[sflag:s7] =	ssyncadd.s32 $0xFFFFF000;
	(pc) =	sbr.rel @p0 .LBB2_1-.Ltmp1, $4  }
0x41: {  	[hbm4b:s15+s8] =	stream.strided.scatter [tilespmem:s10], [sflag:$0x3], $0x1000, s13, s8, $0x38;
	[tilespmem:$0x4800] =	vst v63  }
0x42: {  	_ =	swait.ge [sflag:s7], $0x1000  }
0x43: {  	[sflag:s7] =	ssyncset.done $0x0  }
0x44: {  	[sflag:s7] =	ssyncadd.s32 $0xFFFFF000  }
0x45: {  	_ =	sfence.sel $0x180000  }
0x46: {  	[bflag:$0x0] =	sbarrier.arrive $0xFFFF  }
0x47: {  	p0 =	sne.s32 s1, $0x0;
	_ =	strace $0x9000004A  }
0x48: {  	s0 =	sadd.s32 @!p0 $0x100000, s0;
	[bflag:$0x2] =	sbarrier.arrive $0xFFFF  }
0x49: {  	[sflag:s0] =	ssyncadd.tile.s32 @!p0 $0x1;
	_ =	shalt  }
.Lfunc_end2:
_tile_overlayer_lowered:
.L_overlay_start_2:
0x4a: {  	(tag) =	ssettag $0x2  }
0x4b: {  	s0 =	rddreg [dreg:$0x0];
	s2 =	stileid.u32  }
0x4c: {  	s1 =	rddreg [dreg:$0x1];
	p0 =	sne.s32 s2, $0x0  }
0x4d: {  	s3 =	rddreg [dreg:$0x2];
	[bflag:$0x3] =	sbarrier.arrive $0xFFFF;
	s2 =	simm.s32 @!p0 $0x1C03  }
0x4e: {  	[timem:s3], [sflag:s2] =	dma.local @!p0 [hbm:s0], s1  }
0x4f: {  	s0 =	simm.s32 @!p0 $0x3  }
0x50: {  	_ =	swait.ge @!p0 [sflag:s0], s1  }
0x51: {  	s1 =	ssub.s32 @!p0 $0x0, s1;
	[sflag:s0] =	ssyncset.done @!p0 $0x0  }
0x52: {  	[sflag:s0] =	ssyncadd.s32 @!p0 s1  }
0x53: {  	[bflag:$0x3] =	sbarrier.arrive $0xFFFF  }
0x54: {  	_ =	shalt  }

// kernel: kernel.22.cloned.1.call-start
scs
__scs_entry_jumppad:
0x0: {  	(pc) =	sbr.rel $0x88, $3  }
0x1: {  	(tag) =	ssettag $0x0;
	lr =	simm.s32 $0x1  }
0x2: {  	[smem:$0x3F92] =	sst lr;
	_ =	strace $0xD0000000  }
0x3: {  	_ = 	snop  }
0x4: {  	_ = 	snop  }
0x5: {  	_ = 	snop  }
0x6: {  	_ = 	snop  }
0x7: {  	_ = 	snop  }
__scs_overlays_trampoline_lowered:
0x8: {  	[smem:$0x3FA1] =	sst s0  }
0x9: {  	[smem:$0x3FA2] =	sst s1  }
0xa: {  	[smem:$0x3FA3] =	sst s2  }
0xb: {  	[smem:$0x3FA4] =	sst s3  }
0xc: {  	[smem:$0x3FA5] =	sst s4  }
0xd: {  	[smem:$0x3FA6] =	sst s5  }
0xe: {  	[smem:$0x3FA7] =	sst s6  }
0xf: {  	[smem:$0x3FA8] =	sst s7  }
0x10: {  	[smem:$0x3FA9] =	sst s8  }
0x11: {  	[smem:$0x3FAA] =	sst s9;
	s0 =	simm.s32 @!p0 $0x0  }
0x12: {  	s1 =	sld [smem:$0x3F90];
	s0 =	simm.s32 @p0 $0x1  }
0x13: {  	[smem:$0x3FAB] =	sst s0;
	s0 =	simm.s32 @!p1 $0x0  }
0x14: {  	s2 =	sld [smem:$0x3F8F];
	s0 =	simm.s32 @p1 $0x1  }
0x15: {  	[smem:$0x3FAC] =	sst s0;
	s0 =	simm.s32 @!p2 $0x0  }
0x16: {  	s3 =	sld [smem:$0x3FDB];
	s0 =	simm.s32 @p2 $0x1  }
0x17: {  	s4 =	simm.s32 $0x1BF5;
	[smem:$0x3FAE] =	sst s0  }
0x18: {  	s0 =	sld [smem:$0x3F91];
	_ =	swait.ge [sflag:s4], $0x0  }
0x19: {  	s7 =	sld [smem:$0x3F92]  }
0x1a: {  	s8 =	sadd.s32 $0xFFFFE003, lr  }
0x1b: {  	s9 =	sadd.s32 $0xFFFFFEF7, lr;
	s5 =	simm.s32 $0xFFFFFFFF;
	p2 =	slt.u32 s8, $0xFFFFF086  }
0x1c: {  	p1 =	slt.u32 s9, $0xF7A;
	s5 =	simm.s32 @!p2 $0x0  }
0x1d: {  	s5 =	simm.s32 @p1 $0x1;
	p0 =	seq.s32 s7, s2  }
0x1e: {  	s7 =	smul.u32 @!p0 $0xF7A, s2;
	p2 =	seq.s32 @!p0 s5, $0x0  }
0x1f: {  	s9 =	smul.u32 $0xF7A, s1;
	s8 =	simm.s32 @!p0 $0x1BF5;
	p2 =	por !p2, p0  }
0x20: {  	[sflag:s8] =	ssyncset.s32 @!p0 $0xFFFFF086;
	s6 =	sadd.s32 @!p0 s3, s7;
	s7 =	simm.s32 @!p0 $0x108  }
0x21: {  	s3 =	sadd.s32 s3, s9;
	s6 =	sadd.s32 @!p0 $0x88, s6;
	s7 =	simm.s32 @p2 $0x1082  }
0x22: {  	[simem:s7], [sflag:s8] =	dma.local @!p0 [hbm:s6], $0xF7A  }
0x23: {  	s9 =	sor.u32 $0xD0000000, s2;
	s6 =	simm.s32 $0x108;
	_ =	swait.ge @!p0 [sflag:s8], $0x0  }
0x24: {  	s3 =	sadd.s32 $0x88, s3;
	s6 =	simm.s32 @!p1 $0x1082;
	[sflag:s4] =	ssyncset.s32 $0xFFFFF086  }
0x25: {  	[simem:s6], [sflag:s4] =	dma.local [hbm:s3], $0xF7A  }
0x26: {  	[smem:$0x3F92] =	sst s1;
	(tag) =	ssettag s2;
	_ =	strace s9  }
0x27: {  	s1 =	sld [smem:$0x3FA2]  }
0x28: {  	s2 =	sld [smem:$0x3FA3]  }
0x29: {  	s4 =	sld [smem:$0x3FA5]  }
0x2a: {  	p0 =	seq.s32 s5, $0x0;
	s5 =	sld [smem:$0x3FA6]  }
0x2b: {  	s6 =	sld [smem:$0x3FA7]  }
0x2c: {  	s7 =	sld [smem:$0x3FA8]  }
0x2d: {  	s3 =	simm.s32 $0x108;
	s8 =	sld [smem:$0x3FA9]  }
0x2e: {  	s3 =	simm.s32 @!p0 $0x1082;
	s9 =	sld [smem:$0x3FAA]  }
0x2f: {  	lr =	sadd.s32 s0, s3;
	s0 =	sld [smem:$0x3FA1]  }
0x30: {  	s3 =	sld [smem:$0x3FA4]  }
0x31: {  	[smem:$0x3FAD] =	sst s10  }
0x32: {  	s10 =	sld [smem:$0x3FAB];
	_ =	sdelay $0x3  }
0x33: {  	p0 =	seq.s32 s10, $0x1;
	s10 =	sld [smem:$0x3FAD];
	_ =	sdelay $0x3  }
0x34: {  	[smem:$0x3FAD] =	sst s10  }
0x35: {  	s10 =	sld [smem:$0x3FAC];
	_ =	sdelay $0x3  }
0x36: {  	p1 =	seq.s32 s10, $0x1;
	s10 =	sld [smem:$0x3FAD];
	_ =	sdelay $0x3  }
0x37: {  	[smem:$0x3FAD] =	sst s10  }
0x38: {  	s10 =	sld [smem:$0x3FAE]  }
0x39: {  	_ = 	snop;
	(pc) =	sbr.ind lr, $3  }
0x3a: {  	_ = 	snop  }
0x3b: {  	_ = 	snop  }
0x3c: {  	p2 =	seq.s32 s10, $0x1;
	s10 =	sld [smem:$0x3FAD]  }
0x3d: {  	_ =	shalt  }
0x3e: {  	_ =	shalt  }
0x3f: {  	_ =	shalt  }
0x40: {  	_ =	shalt  }
0x41: {  	_ =	shalt  }
0x42: {  	_ =	shalt  }
0x43: {  	_ =	shalt  }
0x44: {  	_ =	shalt  }
0x45: {  	_ =	shalt  }
0x46: {  	_ =	shalt  }
0x47: {  	_ =	shalt  }
0x48: {  	_ =	shalt  }
0x49: {  	_ =	shalt  }
0x4a: {  	_ =	shalt  }
0x4b: {  	_ =	shalt  }
0x4c: {  	_ =	shalt  }
0x4d: {  	_ =	shalt  }
0x4e: {  	_ =	shalt  }
0x4f: {  	_ =	shalt  }
0x50: {  	_ =	shalt  }
0x51: {  	_ =	shalt  }
0x52: {  	_ =	shalt  }
0x53: {  	_ =	shalt  }
0x54: {  	_ =	shalt  }
0x55: {  	_ =	shalt  }
0x56: {  	_ =	shalt  }
0x57: {  	_ =	shalt  }
0x58: {  	_ =	shalt  }
0x59: {  	_ =	shalt  }
0x5a: {  	_ =	shalt  }
0x5b: {  	_ =	shalt  }
0x5c: {  	_ =	shalt  }
0x5d: {  	_ =	shalt  }
0x5e: {  	_ =	shalt  }
0x5f: {  	_ =	shalt  }
0x60: {  	_ =	shalt  }
0x61: {  	_ =	shalt  }
0x62: {  	_ =	shalt  }
0x63: {  	_ =	shalt  }
0x64: {  	_ =	shalt  }
0x65: {  	_ =	shalt  }
0x66: {  	_ =	shalt  }
0x67: {  	_ =	shalt  }
0x68: {  	_ =	shalt  }
0x69: {  	_ =	shalt  }
0x6a: {  	_ =	shalt  }
0x6b: {  	_ =	shalt  }
0x6c: {  	_ =	shalt  }
0x6d: {  	_ =	shalt  }
0x6e: {  	_ =	shalt  }
0x6f: {  	_ =	shalt  }
0x70: {  	_ =	shalt  }
0x71: {  	_ =	shalt  }
0x72: {  	_ =	shalt  }
0x73: {  	_ =	shalt  }
0x74: {  	_ =	shalt  }
0x75: {  	_ =	shalt  }
0x76: {  	_ =	shalt  }
0x77: {  	_ =	shalt  }
0x78: {  	_ =	shalt  }
0x79: {  	_ =	shalt  }
0x7a: {  	_ =	shalt  }
0x7b: {  	_ =	shalt  }
0x7c: {  	_ =	shalt  }
0x7d: {  	_ =	shalt  }
0x7e: {  	_ =	shalt  }
0x7f: {  	_ =	shalt  }
0x80: {  	_ =	shalt  }
0x81: {  	_ =	shalt  }
0x82: {  	_ =	shalt  }
0x83: {  	_ =	shalt  }
0x84: {  	_ =	shalt  }
0x85: {  	_ =	shalt  }
0x86: {  	_ =	shalt  }
0x87: {  	_ =	shalt  }
.Lfunc_end0:
.L_simem_size_0:
called_computation.2_lowered:
.L_overlay_start_0:
0x88: {  	s2 =	sld [smem:$0x3FD9]  }
0x89: {  	s3 =	sld [smem:$0x3FFE];
	_ =	sdelay $0x1  }
0x8a: {  	s1 =	srdreg.scid  }
0x8b: {  	s0 =	sand.u32 $0x1, s1  }
0x8c: {  	s16 =	sshll.u32 s0, $0xA;
	s2 =	sadd.s32 s3, s2  }
0x8d: {  	s2 =	sadd.s32 s2, s16  }
0x8e: {  	[smem:$0x3FB9] =	sst s2  }
0x8f: {  	_ = 	snop  }
0x90: {  	(tm) =	ssettm $0x1  }
0x91: {  	s17 =	sld [smem:$0x3FFB];
	_ =	sdelay $0x3  }
0x92: {  	_ =	strace s17  }
0x93: {  	s2 =	sld [smem:$0x3FFC];
	_ =	sdelay $0x3  }
0x94: {  	_ =	strace s2  }
0x95: {  	s2 =	sld [smem:$0x3FFD];
	_ =	sdelay $0x3  }
0x96: {  	_ =	strace s2  }
0x97: {  	_ =	strace $0x8FFFFFFF  }
0x98: {  	s18 =	sld [smem:$0x3FDB];
	_ =	sdelay $0x1  }
0x99: {  	s19 =	simm.s32 $_scs_section_size  }
0x9a: {  	s4 =	simm.s32 $_size__tile_overlayer_lowered;
	s5 =	simm.s32 $_tile_overlayer_lowered  }
0x9b: {  	s22 =	simm.s32 $0x1BFF;
	s21 =	sshll.u32 s5, $0x1;
	s2 =	sadd.s32 s19, s18  }
0x9c: {  	s6 =	simm.s32 $0x0;
	s20 =	sshll.u32 s4, $0x1;
	s4 =	sadd.s32 s21, s2  }
0x9d: {  	[timem:s6], [sflag:s22] =	dma.local [hbm:s4], s20  }
0x9e: {  	_ =	swait.ge [sflag:s22], s20  }
0x9f: {  	s3 =	ssub.s32 $0x0, s20;
	[sflag:s22] =	ssyncset.done $0x0  }
0xa0: {  	[sflag:s22] =	ssyncadd.s32 s3;
	_ =	sdelay $0x1  }
0xa1: {  	s23 =	simm.s32 $0x1B8B  }
0xa2: {  	_ =	swait.ge [sflag:s23], $0x1  }
0xa3: {  	[sflag:s23] =	ssyncset.done $0x0  }
0xa4: {  	s25 =	simm.s32 $0x1B8E;
	s24 =	sld [smem:$0x3FFE];
	[sflag:s23] =	ssyncadd.s32 $0xFFFFFFFF  }
0xa5: {  	s26 =	simm.s32 $execute0_lowered;
	[smem:$0x3FD2] =	sst s25  }
0xa6: {  	s4 =	sshll.u32 s26, $0x1;
	_ =	strace $0x8000004C;
	[dreg:$0x1] =	wrdreg $0xFFFFFFFF  }
0xa7: {  	s28 =	simm.s32 $_size_execute0_lowered;
	s2 =	sadd.s32 s2, s4;
	[dreg:$0x0] =	wrdreg $0x0  }
0xa8: {  	s4 =	sshll.u32 s28, $0x1;
	[dreg:$0x2] =	wrdreg s2  }
0xa9: {  	[dreg:$0x3] =	wrdreg s4  }
0xaa: {  	[dreg:$0x4] =	wrdreg $0xC0  }
0xab: {  	_ =	task [dreg:s6], $0x5FFFF  }
0xac: {  	[dreg:$0x1] =	wrdreg $0xFFFFFFFF  }
0xad: {  	[dreg:$0x0] =	wrdreg $0x60  }
0xae: {  	[dreg:$0x2] =	wrdreg s24  }
0xaf: {  	[dreg:$0x3] =	wrdreg $0x9  }
0xb0: {  	_ =	task.clear_ibuf [dreg:s6], $0x4FFFF;
	_ =	strace $0x9000004C  }
0xb1: {  	s29 =	simm.s32 $0x9;
	_ =	strace $0x8000004E  }
0xb2: {  	_ =	swait.ge [sflag:s29], $0x1  }
0xb3: {  	[sflag:s29] =	ssyncadd.s32 $0xFFFFFFFF  }
0xb4: {  	_ =	strace $0x9000004E  }
0xb5: {  	_ =	sfence  }
0xb6: {  	s30 =	sld [smem:$0x0];
	_ =	sdelay $0x2  }
0xb7: {  	s31 =	sshll.u32 s1, $0xD;
	s1 =	sshrl.u32 s1, $0x2  }
0xb8: {  	s3 =	sand.u32 $0x4000, s31;
	s1 =	sadd.s32 s1, s30  }
0xb9: {  	s0 =	sor.u32 s3, s0;
	s1 =	sshll.u32 s1, $0x11  }
0xba: {  	s0 =	sor.u32 s1, s0  }
0xbb: {  	s0 =	sadd.s32 $0x8F2B, s0  }
0xbc: {  	[sflag:s0] =	ssyncadd.remote.s32 $0x1  }
0xbd: {  	_ =	sfence.sel $0xFFFF  }
0xbe: {  	[dreg:$0x0] =	wrdreg $0xFFFFFFFF;
	(pc) =	sbr.abs _section_cstart, $3  }
0xbf: {  	[dreg:$0x1] =	wrdreg $0xFFFFFFFF  }
0xc0: {  	_ =	task.clear_ibuf [dreg:s6], $0x2FFFF;
	_ =	strace $0x9FFFFFFF  }
0xc1: {  	(tm) =	ssettm $0x7FFFFFFF  }
tec
execute0_lowered:
.L_overlay_start_1:
0x0: {  	(tag) =	ssettag $0x1  }
0x1: {  	s4 =	rddreg [dreg:$0x0]  }
0x2: {  	s0 =	rddreg [dreg:$0x1]  }
0x3: {  	s2 =	simm.s32 $0x0;
	s3 =	srdreg.scid;
	s1 =	stileid.u32  }
0x4: {  	s9 =	simm.s32 $0x2800;
	s10 =	simm.s32 $0x3800;
	s11 =	simm.s32 $0x1  }
0x5: {  	s12 =	simm.s32 $0x2;
	s13 =	simm.s32 $0x80;
	s14 =	simm.s32 $0x0  }
0x6: {  	s3 =	sand.u32 $0x1, s3;
	s5 =	sshll.u32 s1, $0x1;
	s6 =	smul.u32 $0x140000, s1  }
0x7: {  	[smem:$0x7FF] =	sst s2;
	s5 =	sor.u32 s3, s5;
	s7 =	smul.u32 $0xA0000, s3  }
0x8: {  	_ =	strace $0x8000004D;
	s8 =	ssub.s32 $0x2, s3;
	s5 =	smul.u32 $0x500, s5  }
0x9: {  	s3 =	sadd.s32 $0x31200, s4;
	s31 =	sshrl.u32 s8, $0x1;
	s6 =	sadd.s32 s7, s6  }
0xa: {  	s7 =	ssub.s32 s8, s31;
	s5 =	sadd.s32 s5, s4;
	s6 =	sshrl.u32 s6, $0x3  }
0xb: {  	s8 =	simm.s32 $0x40;
	s6 =	sadd.s32 s6, s4;
	s4 =	sadd.s32 $0x6BE00, s5  }
0xc: {  	s5 =	smax.u32 s7, $0x1;
	s7 =	simm.s32 $0x3;
	s6 =	sadd.s32 $0x75E08, s6  }
.LBB2_1:
0xd: {  	[tilespmem:s2], [sflag:$0x3] =	stream.linear.gather [hbm4b:s4+s2], $0x2800, $0x38;
	[tilespmem:$0x4800] =	vst v63  }
0xe: {  	_ =	swait.ge [sflag:s7], $0x2800  }
0xf: {  	[sflag:s7] =	ssyncset.done $0x0  }
0x10: {  	s15 =	simm.s32 $0x0;
	[sflag:s7] =	ssyncadd.s32 $0xFFFFD800  }
0x11: {  	[tilespmem:s9], [sflag:$0x1] =	stream.indirect.gather [hbm4b:s3+s8], $0x40, s15, s8, $0xb8;
	[tilespmem:$0x4800] =	vst v63  }
0x12: {  	s30 =	simm.s32 $0x40  }
0x13: {  	[tilespmem:s10], [sflag:$0x2] =	stream.indirect.gather [hbm4b:s3+s8], $0x40, s30, s8, $0xb8;
	[tilespmem:$0x4800] =	vst v63  }
0x14: {  	_ =	swait.ge [sflag:s11], $0x1000  }
0x15: {  	[sflag:s11] =	ssyncset.done $0x0  }
0x16: {  	[sflag:s11] =	ssyncadd.s32 $0xFFFFF000  }
0x17: {  	_ =	swait.ge [sflag:s12], $0x1000  }
0x18: {  	[sflag:s12] =	ssyncset.done $0x0  }
0x19: {  	s31 =	sadd.s32 $0xFFFFFFF8, s6;
	[sflag:s12] =	ssyncadd.s32 $0xFFFFF000  }
0x1a: {  	[hbm4b:s31+s8] =	stream.strided.scatter [tilespmem:s9], [sflag:$0x3], $0x1000, s13, s8, $0x38;
	[tilespmem:$0x4800] =	vst v63  }
0x1b: {  	_ =	swait.ge [sflag:s7], $0x1000  }
0x1c: {  	[sflag:s7] =	ssyncset.done $0x0  }
0x1d: {  	[sflag:s7] =	ssyncadd.s32 $0xFFFFF000  }
0x1e: {  	[hbm4b:s6+s8] =	stream.strided.scatter [tilespmem:s10], [sflag:$0x3], $0x1000, s13, s8, $0x38;
	[tilespmem:$0x4800] =	vst v63  }
0x1f: {  	s16 =	simm.s32 $0x200;
	_ =	swait.ge [sflag:s7], $0x1000  }
0x20: {  	s17 =	simm.s32 $0x400;
	s15 =	sadd.s32 $0x400, s6;
	[sflag:s7] =	ssyncset.done $0x0  }
.LBB2_2:
0x21: {  	s18 =	sshra.s32 s16, $0x2  }
0x22: {  	[sflag:s7] =	ssyncadd.s32 $0xFFFFF000;
	s16 =	smov.u32 s17;
	s19 =	sadd.s32 $0x200, s17  }
0x23: {  	[tilespmem:s9], [sflag:$0x1] =	stream.indirect.gather [hbm4b:s3+s8], $0x40, s18, s8, $0xb8;
	[tilespmem:$0x4800] =	vst v63  }
0x24: {  	p0 =	sne.s32 s17, $0x9E00;
	s17 =	sadd.s32 $0x40, s18  }
0x25: {  	[tilespmem:s10], [sflag:$0x2] =	stream.indirect.gather [hbm4b:s3+s8], $0x40, s17, s8, $0xb8;
	[tilespmem:$0x4800] =	vst v63  }
0x26: {  	_ =	swait.ge [sflag:s11], $0x1000  }
0x27: {  	[sflag:s11] =	ssyncset.done $0x0  }
0x28: {  	[sflag:s11] =	ssyncadd.s32 $0xFFFFF000  }
0x29: {  	_ =	swait.ge [sflag:s12], $0x1000  }
0x2a: {  	[sflag:s12] =	ssyncset.done $0x0  }
0x2b: {  	s17 =	sadd.s32 $0xFFFFFFF8, s15;
	[sflag:s12] =	ssyncadd.s32 $0xFFFFF000  }
0x2c: {  	[hbm4b:s17+s8] =	stream.strided.scatter [tilespmem:s9], [sflag:$0x3], $0x1000, s13, s8, $0x38;
	[tilespmem:$0x4800] =	vst v63  }
0x2d: {  	_ =	swait.ge [sflag:s7], $0x1000  }
.Ltmp0:
0x2e: {  	[sflag:s7] =	ssyncset.done $0x0;
	(pc) =	sbr.rel @p0 .LBB2_2-.Ltmp0, $4  }
0x2f: {  	[sflag:s7] =	ssyncadd.s32 $0xFFFFF000  }
0x30: {  	[hbm4b:s15+s8] =	stream.strided.scatter [tilespmem:s10], [sflag:$0x3], $0x1000, s13, s8, $0x38;
	[tilespmem:$0x4800] =	vst v63  }
0x31: {  	_ =	swait.ge [sflag:s7], $0x1000  }
0x32: {  	s17 =	smov.u32 s19;
	s15 =	sadd.s32 $0x400, s15;
	[sflag:s7] =	ssyncset.done $0x0  }
0x33: {  	s16 =	sshra.s32 s16, $0x2;
	[sflag:s7] =	ssyncadd.s32 $0xFFFFF000  }
0x34: {  	[tilespmem:s9], [sflag:$0x1] =	stream.indirect.gather [hbm4b:s3+s8], $0x40, s16, s8, $0xb8;
	[tilespmem:$0x4800] =	vst v63  }
0x35: {  	s16 =	sadd.s32 $0x40, s16  }
0x36: {  	[tilespmem:s10], [sflag:$0x2] =	stream.indirect.gather [hbm4b:s3+s8], $0x40, s16, s8, $0xb8;
	[tilespmem:$0x4800] =	vst v63  }
0x37: {  	_ =	swait.ge [sflag:s11], $0x1000  }
0x38: {  	[sflag:s11] =	ssyncset.done $0x0  }
0x39: {  	[sflag:s11] =	ssyncadd.s32 $0xFFFFF000  }
0x3a: {  	_ =	swait.ge [sflag:s12], $0x1000  }
0x3b: {  	[sflag:s12] =	ssyncset.done $0x0  }
0x3c: {  	s31 =	sadd.s32 $0xFFFFFFF8, s15;
	[sflag:s12] =	ssyncadd.s32 $0xFFFFF000  }
0x3d: {  	[hbm4b:s31+s8] =	stream.strided.scatter [tilespmem:s9], [sflag:$0x3], $0x1000, s13, s8, $0x38;
	[tilespmem:$0x4800] =	vst v63  }
0x3e: {  	s14 =	sadd.s32 $0x1, s14;
	_ =	swait.ge [sflag:s7], $0x1000  }
0x3f: {  	p0 =	sne.s32 s14, s5;
	[sflag:s7] =	ssyncset.done $0x0  }
.Ltmp1:
0x40: {  	[sflag:s7] =	ssyncadd.s32 $0xFFFFF000;
	(pc) =	sbr.rel @p0 .LBB2_1-.Ltmp1, $4  }
0x41: {  	[hbm4b:s15+s8] =	stream.strided.scatter [tilespmem:s10], [sflag:$0x3], $0x1000, s13, s8, $0x38;
	[tilespmem:$0x4800] =	vst v63  }
0x42: {  	_ =	swait.ge [sflag:s7], $0x1000  }
0x43: {  	[sflag:s7] =	ssyncset.done $0x0  }
0x44: {  	[sflag:s7] =	ssyncadd.s32 $0xFFFFF000  }
0x45: {  	_ =	sfence.sel $0x180000  }
0x46: {  	[bflag:$0x0] =	sbarrier.arrive $0xFFFF  }
0x47: {  	p0 =	sne.s32 s1, $0x0;
	_ =	strace $0x9000004D  }
0x48: {  	s0 =	sadd.s32 @!p0 $0x100000, s0;
	[bflag:$0x2] =	sbarrier.arrive $0xFFFF  }
0x49: {  	[sflag:s0] =	ssyncadd.tile.s32 @!p0 $0x1;
	_ =	shalt  }
.Lfunc_end2:
_tile_overlayer_lowered:
.L_overlay_start_2:
0x4a: {  	(tag) =	ssettag $0x2  }
0x4b: {  	s0 =	rddreg [dreg:$0x0];
	s2 =	stileid.u32  }
0x4c: {  	s1 =	rddreg [dreg:$0x1];
	p0 =	sne.s32 s2, $0x0  }
0x4d: {  	s3 =	rddreg [dreg:$0x2];
	[bflag:$0x3] =	sbarrier.arrive $0xFFFF;
	s2 =	simm.s32 @!p0 $0x1C03  }
0x4e: {  	[timem:s3], [sflag:s2] =	dma.local @!p0 [hbm:s0], s1  }
0x4f: {  	s0 =	simm.s32 @!p0 $0x3  }
0x50: {  	_ =	swait.ge @!p0 [sflag:s0], s1  }
0x51: {  	s1 =	ssub.s32 @!p0 $0x0, s1;
	[sflag:s0] =	ssyncset.done @!p0 $0x0  }
0x52: {  	[sflag:s0] =	ssyncadd.s32 @!p0 s1  }
0x53: {  	[bflag:$0x3] =	sbarrier.arrive $0xFFFF  }
0x54: {  	_ =	shalt  }

</sc_bundles>
